<compile_context>
chip_gen: v7x
topology: tpu7x:2x2x1
jax: 0.10.2.dev20260603
libtpu: 0.0.44.dev20260713+nightly
codegen_flags: <defaults>
</compile_context>

<pallas_src>
import functools

import jax
import jax.numpy as jnp
from jax import lax
from jax.experimental import pallas as pl
from jax.experimental.pallas import tpu as pltpu
from jax.experimental.pallas import tpu_sc as plsc

ALPHA = 40.0
BETA = 0.25
GAMMA = 0.75
HALPHA = ALPHA * 0.5

_info = plsc.get_sparse_core_info()
_NC, _NS, _L = _info.num_cores, _info.num_subcores, _info.num_lanes
_NW = _NC * _NS


def _make_sc_pos(B):
    b_per_w = B // _NW
    mesh = plsc.VectorSubcoreMesh(core_axis_name="c", subcore_axis_name="s")

    @functools.partial(
        pl.kernel,
        out_type=jax.ShapeDtypeStruct((_NW, _L), jnp.float32),
        mesh=mesh,
        scratch_types=[
            pltpu.VMEM((b_per_w,), jnp.float32),
            pltpu.VMEM((_L,), jnp.float32),
            pltpu.VMEM((_L,), jnp.float32),
        ],
    )
    def sc_pos(pos_hbm, omega_hbm, out_hbm, pos_v, om_v, acc_v):
        wid = lax.axis_index("s") * _NC + lax.axis_index("c")
        base = wid * b_per_w
        pltpu.sync_copy(pos_hbm.at[pl.ds(base, b_per_w)], pos_v)
        pltpu.sync_copy(omega_hbm, om_v)
        om = om_v[...]
        acc = jnp.zeros((_L,), jnp.float32)
        for j in range(b_per_w // _L):
            v = pos_v[pl.ds(j * _L, _L)]
            z = ALPHA * (om - v)
            acc = acc + 1.0 / (1.0 + jnp.exp(-z))
        acc_v[...] = acc
        pltpu.sync_copy(acc_v, out_hbm.at[wid])

    return sc_pos


def _tc_body(costh_ref, label_ref, omega_ref, tsum_ref, pos_ref, acc_ref):
    i = pl.program_id(0)
    n = pl.num_programs(0)
    x = costh_ref[...]
    c = HALPHA * omega_ref[0]
    t = jnp.tanh(c - HALPHA * x)

    @pl.when(i == 0)
    def _():
        acc_ref[0] = 0.0

    acc_ref[0] += jnp.sum(t)

    lane = lax.broadcasted_iota(jnp.int32, x.shape, 1)
    onehot = (lane == label_ref[...][:, None]).astype(jnp.float32)
    pos_ref[...] = jnp.sum(x * onehot, axis=1)

    @pl.when(i == n - 1)
    def _():
        tsum_ref[0] = acc_ref[0]


def kernel(costh, label, omega):
    B, C = costh.shape
    BR = 2048
    label_i32 = label.astype(jnp.int32)
    omega_f32 = omega.astype(jnp.float32)
    omega1 = omega_f32.reshape(1)
    omega_vec = jnp.broadcast_to(omega_f32, (_L,))

    t_all, pos = pl.pallas_call(
        _tc_body,
        grid=(B // BR,),
        in_specs=[
            pl.BlockSpec((BR, C), lambda i: (i, 0)),
            pl.BlockSpec((BR,), lambda i: (i,)),
            pl.BlockSpec(memory_space=pltpu.SMEM),
        ],
        out_specs=[
            pl.BlockSpec(memory_space=pltpu.SMEM),
            pl.BlockSpec((BR,), lambda i: (i,)),
        ],
        out_shape=[
            jax.ShapeDtypeStruct((1,), jnp.float32),
            jax.ShapeDtypeStruct((B,), jnp.float32),
        ],
        scratch_shapes=[pltpu.SMEM((1,), jnp.float32)],
    )(costh, label_i32, omega1)

    sc_partials = _make_sc_pos(B)(pos, omega_vec)

    s_pos = jnp.sum(sc_partials)
    s_all = 0.5 * (B * C) + 0.5 * t_all[0]
    pfa = GAMMA * (B - s_pos) / B
    pmiss = BETA * (s_all - s_pos) / (B * (C - 1))
    return pfa + pmiss

# --- scband reference (transcript-rebuilt; emitter-appended) ---
"""Pipeline reference for scband-a-dcfloss-91242285236548 (READ-ONLY COPY).

The authoritative reference and input builder live on the scoring server;
editing this copy changes nothing except your own understanding.
"""

import jax, jax.numpy as jnp
import numpy as np

ALPHA = 40.0
BETA = 0.25
GAMMA = 0.75


def setup_inputs(seed: int = 0) -> dict:
    key = jax.random.key(seed)
    k1, k2 = jax.random.split(key)
    B, C = 16384, 1000
    costh = jax.random.normal(k1, (B, C), dtype=jnp.float32)
    label = jax.random.randint(k2, (B,), 0, C, dtype=jnp.int64 if jax.config.jax_enable_x64 else jnp.int32)
    omega = jnp.array(0.5, dtype=jnp.float32)
    return {"costh": costh, "label": label, "omega": omega}


def reference(costh, label, omega):
    B, C = costh.shape
    label = label.reshape(-1, 1)
    # positive_dist = costh.gather(1, label)
    positive_dist = jnp.take_along_axis(costh, label, axis=1)
    # negative_label = arange(C).reshape(1,-1).repeat(B,1); scatter(1, label, -1)
    negative_label = jnp.broadcast_to(jnp.arange(C, dtype=label.dtype), (B, C))
    negative_label = negative_label.at[jnp.arange(B)[:, None], label].set(-1)
    # torch.where(negative_label != -1)[1].reshape(B, C-1)
    rows, cols = jnp.nonzero(negative_label != -1, size=B * (C - 1))
    neg_idx = cols.reshape(B, C - 1)
    negative_dist = jnp.take_along_axis(costh, neg_idx, axis=1)
    pfa = GAMMA * jnp.mean(jax.nn.sigmoid(ALPHA * (positive_dist - omega)))
    pmiss = BETA * jnp.mean(jax.nn.sigmoid(ALPHA * (omega - negative_dist)))
    return pfa + pmiss

if __name__ == "__main__":
    import jax
    _d = setup_inputs()
    print(jax.jit(kernel)(*tuple(_d.values())))

</pallas_src>

<mosaic_0001>
#map = affine_map<(d0, d1) -> (0)>
#map1 = affine_map<(d0, d1) -> (0, 0)>
module attributes {stable_mosaic.version = 14 : i64} {
  func.func @sc_pos(%arg0: i32, %arg1: i32, %arg2: memref<16384xf32, #tpu.memory_space<hbm>>, %arg3: memref<16xf32, #tpu.memory_space<hbm>>, %arg4: memref<32x16xf32, #tpu.memory_space<hbm>>, %arg5: memref<512xf32, #tpu.memory_space<vmem>>, %arg6: memref<16xf32, #tpu.memory_space<vmem>>, %arg7: memref<16xf32, #tpu.memory_space<vmem>>) attributes {dimension_semantics = [#tpu.dimension_semantics<core_parallel>, #tpu.dimension_semantics<subcore_parallel>], iteration_bounds = array<i64: 2, 16>, scalar_prefetch = 0 : i64, scratch_operands = 3 : i64, tpu.core_type = #tpu.core_type<sc_vector_subcore>, window_params = [{transform_indices = #map}, {transform_indices = #map}, {transform_indices = #map1}]} {
    %mul3A = arith.constant 2 : i32
    %mul3A_0 = arith.muli %arg1, %mul3A : i32
    %add3A = arith.addi %mul3A_0, %arg0 : i32
    %mul3A_1 = arith.constant 512 : i32
    %mul3A_2 = arith.muli %add3A, %mul3A_1 : i32
    "tpu.region"() ({
      %run_scoped3A = tpu.sem_alloc : memref<!tpu.dma_semaphore, #tpu.memory_space<semaphore_mem>>
      %dma_start3A = tpu.memref_slice %arg2[%mul3A_2] : memref<16384xf32, #tpu.memory_space<hbm>> -> memref<512xf32, #tpu.memory_space<hbm>>
      %dma_start3A_581 = tpu.memref_slice %arg2[%mul3A_2] : memref<16384xf32, #tpu.memory_space<hbm>> -> memref<512xf32, #tpu.memory_space<hbm>>
      tpu.enqueue_dma source(%dma_start3A_581 : memref<512xf32, #tpu.memory_space<hbm>>) target(%arg5 : memref<512xf32, #tpu.memory_space<vmem>>) target_semaphore(%run_scoped3A : memref<!tpu.dma_semaphore, #tpu.memory_space<semaphore_mem>>)
      %dma_wait3A = tpu.memref_slice %arg2[%mul3A_2] : memref<16384xf32, #tpu.memory_space<hbm>> -> memref<512xf32, #tpu.memory_space<hbm>>
      %dma_wait3A_582 = tpu.memref_slice %arg2[%mul3A_2] : memref<16384xf32, #tpu.memory_space<hbm>> -> memref<512xf32, #tpu.memory_space<hbm>>
      tpu.wait_dma2 semaphore(%run_scoped3A : memref<!tpu.dma_semaphore, #tpu.memory_space<semaphore_mem>>) src(%dma_wait3A_582 : memref<512xf32, #tpu.memory_space<hbm>>) dst(%arg5 : memref<512xf32, #tpu.memory_space<vmem>>)
      tpu.yield
    }) : () -> ()
    "tpu.region"() ({
      %run_scoped3A = tpu.sem_alloc : memref<!tpu.dma_semaphore, #tpu.memory_space<semaphore_mem>>
      tpu.enqueue_dma source(%arg3 : memref<16xf32, #tpu.memory_space<hbm>>) target(%arg6 : memref<16xf32, #tpu.memory_space<vmem>>) target_semaphore(%run_scoped3A : memref<!tpu.dma_semaphore, #tpu.memory_space<semaphore_mem>>)
      tpu.wait_dma2 semaphore(%run_scoped3A : memref<!tpu.dma_semaphore, #tpu.memory_space<semaphore_mem>>) src(%arg3 : memref<16xf32, #tpu.memory_space<hbm>>) dst(%arg6 : memref<16xf32, #tpu.memory_space<vmem>>)
      tpu.yield
    }) : () -> ()
    %get3A = arith.constant 0 : index
    %get3A_3 = tpu.vector_load %arg6[%get3A] {strides = array<i32>} : memref<16xf32, #tpu.memory_space<vmem>>, vector<16xf32>,
    %get3A_4 = vector.shape_cast %get3A_3 : vector<16xf32> to vector<16xf32>
    %broadcast_in_dim3A = arith.constant 0.000000e+00 : f32
    %broadcast_in_dim3A_5 = vector.broadcast %broadcast_in_dim3A : f32 to vector<16xf32>
    %get3A_6 = arith.constant 0 : index
    %get3A_7 = tpu.vector_load %arg5[%get3A_6] {strides = array<i32>} : memref<512xf32, #tpu.memory_space<vmem>>, vector<16xf32>,
    %get3A_8 = vector.shape_cast %get3A_7 : vector<16xf32> to vector<16xf32>
    %sub3A = arith.subf %get3A_4, %get3A_8 : vector<16xf32>
    %mul3A_9 = arith.constant 4.000000e+01 : f32
    %mul3A_10 = vector.broadcast %mul3A_9 : f32 to vector<16xf32>
    %mul3A_11 = arith.mulf %mul3A_10, %sub3A : vector<16xf32>
    %neg3A = arith.constant 0.000000e+00 : f32
    %neg3A_12 = vector.broadcast %neg3A : f32 to vector<16xf32>
    %neg3A_13 = arith.subf %neg3A_12, %mul3A_11 : vector<16xf32>
    %exp3A = math.exp %neg3A_13 : vector<16xf32>
    %add3A_14 = arith.constant 1.000000e+00 : f32
    %add3A_15 = vector.broadcast %add3A_14 : f32 to vector<16xf32>
    %add3A_16 = arith.addf %add3A_15, %exp3A : vector<16xf32>
    %div3A = arith.constant 1.000000e+00 : f32
    %div3A_17 = vector.broadcast %div3A : f32 to vector<16xf32>
    %div3A_18 = arith.divf %div3A_17, %add3A_16 : vector<16xf32>
    %add3A_19 = arith.addf %broadcast_in_dim3A_5, %div3A_18 : vector<16xf32>
    %get3A_20 = arith.constant 16 : index
    %get3A_21 = tpu.vector_load %arg5[%get3A_20] {strides = array<i32>} : memref<512xf32, #tpu.memory_space<vmem>>, vector<16xf32>,
    %get3A_22 = vector.shape_cast %get3A_21 : vector<16xf32> to vector<16xf32>
    %sub3A_23 = arith.subf %get3A_4, %get3A_22 : vector<16xf32>
    %mul3A_24 = arith.constant 4.000000e+01 : f32
    %mul3A_25 = vector.broadcast %mul3A_24 : f32 to vector<16xf32>
    %mul3A_26 = arith.mulf %mul3A_25, %sub3A_23 : vector<16xf32>
    %neg3A_27 = arith.constant 0.000000e+00 : f32
    %neg3A_28 = vector.broadcast %neg3A_27 : f32 to vector<16xf32>
    %neg3A_29 = arith.subf %neg3A_28, %mul3A_26 : vector<16xf32>
    %exp3A_30 = math.exp %neg3A_29 : vector<16xf32>
    %add3A_31 = arith.constant 1.000000e+00 : f32
    %add3A_32 = vector.broadcast %add3A_31 : f32 to vector<16xf32>
    %add3A_33 = arith.addf %add3A_32, %exp3A_30 : vector<16xf32>
    %div3A_34 = arith.constant 1.000000e+00 : f32
    %div3A_35 = vector.broadcast %div3A_34 : f32 to vector<16xf32>
    %div3A_36 = arith.divf %div3A_35, %add3A_33 : vector<16xf32>
    %add3A_37 = arith.addf %add3A_19, %div3A_36 : vector<16xf32>
    %get3A_38 = arith.constant 32 : index
    %get3A_39 = tpu.vector_load %arg5[%get3A_38] {strides = array<i32>} : memref<512xf32, #tpu.memory_space<vmem>>, vector<16xf32>,
    %get3A_40 = vector.shape_cast %get3A_39 : vector<16xf32> to vector<16xf32>
    %sub3A_41 = arith.subf %get3A_4, %get3A_40 : vector<16xf32>
    %mul3A_42 = arith.constant 4.000000e+01 : f32
    %mul3A_43 = vector.broadcast %mul3A_42 : f32 to vector<16xf32>
    %mul3A_44 = arith.mulf %mul3A_43, %sub3A_41 : vector<16xf32>
    %neg3A_45 = arith.constant 0.000000e+00 : f32
    %neg3A_46 = vector.broadcast %neg3A_45 : f32 to vector<16xf32>
    %neg3A_47 = arith.subf %neg3A_46, %mul3A_44 : vector<16xf32>
    %exp3A_48 = math.exp %neg3A_47 : vector<16xf32>
    %add3A_49 = arith.constant 1.000000e+00 : f32
    %add3A_50 = vector.broadcast %add3A_49 : f32 to vector<16xf32>
    %add3A_51 = arith.addf %add3A_50, %exp3A_48 : vector<16xf32>
    %div3A_52 = arith.constant 1.000000e+00 : f32
    %div3A_53 = vector.broadcast %div3A_52 : f32 to vector<16xf32>
    %div3A_54 = arith.divf %div3A_53, %add3A_51 : vector<16xf32>
    %add3A_55 = arith.addf %add3A_37, %div3A_54 : vector<16xf32>
    %get3A_56 = arith.constant 48 : index
    %get3A_57 = tpu.vector_load %arg5[%get3A_56] {strides = array<i32>} : memref<512xf32, #tpu.memory_space<vmem>>, vector<16xf32>,
    %get3A_58 = vector.shape_cast %get3A_57 : vector<16xf32> to vector<16xf32>
    %sub3A_59 = arith.subf %get3A_4, %get3A_58 : vector<16xf32>
    %mul3A_60 = arith.constant 4.000000e+01 : f32
    %mul3A_61 = vector.broadcast %mul3A_60 : f32 to vector<16xf32>
    %mul3A_62 = arith.mulf %mul3A_61, %sub3A_59 : vector<16xf32>
    %neg3A_63 = arith.constant 0.000000e+00 : f32
    %neg3A_64 = vector.broadcast %neg3A_63 : f32 to vector<16xf32>
    %neg3A_65 = arith.subf %neg3A_64, %mul3A_62 : vector<16xf32>
    %exp3A_66 = math.exp %neg3A_65 : vector<16xf32>
    %add3A_67 = arith.constant 1.000000e+00 : f32
    %add3A_68 = vector.broadcast %add3A_67 : f32 to vector<16xf32>
    %add3A_69 = arith.addf %add3A_68, %exp3A_66 : vector<16xf32>
    %div3A_70 = arith.constant 1.000000e+00 : f32
    %div3A_71 = vector.broadcast %div3A_70 : f32 to vector<16xf32>
    %div3A_72 = arith.divf %div3A_71, %add3A_69 : vector<16xf32>
    %add3A_73 = arith.addf %add3A_55, %div3A_72 : vector<16xf32>
    %get3A_74 = arith.constant 64 : index
    %get3A_75 = tpu.vector_load %arg5[%get3A_74] {strides = array<i32>} : memref<512xf32, #tpu.memory_space<vmem>>, vector<16xf32>,
    %get3A_76 = vector.shape_cast %get3A_75 : vector<16xf32> to vector<16xf32>
    %sub3A_77 = arith.subf %get3A_4, %get3A_76 : vector<16xf32>
    %mul3A_78 = arith.constant 4.000000e+01 : f32
    %mul3A_79 = vector.broadcast %mul3A_78 : f32 to vector<16xf32>
    %mul3A_80 = arith.mulf %mul3A_79, %sub3A_77 : vector<16xf32>
    %neg3A_81 = arith.constant 0.000000e+00 : f32
    %neg3A_82 = vector.broadcast %neg3A_81 : f32 to vector<16xf32>
    %neg3A_83 = arith.subf %neg3A_82, %mul3A_80 : vector<16xf32>
    %exp3A_84 = math.exp %neg3A_83 : vector<16xf32>
    %add3A_85 = arith.constant 1.000000e+00 : f32
    %add3A_86 = vector.broadcast %add3A_85 : f32 to vector<16xf32>
    %add3A_87 = arith.addf %add3A_86, %exp3A_84 : vector<16xf32>
    %div3A_88 = arith.constant 1.000000e+00 : f32
    %div3A_89 = vector.broadcast %div3A_88 : f32 to vector<16xf32>
    %div3A_90 = arith.divf %div3A_89, %add3A_87 : vector<16xf32>
    %add3A_91 = arith.addf %add3A_73, %div3A_90 : vector<16xf32>
    %get3A_92 = arith.constant 80 : index
    %get3A_93 = tpu.vector_load %arg5[%get3A_92] {strides = array<i32>} : memref<512xf32, #tpu.memory_space<vmem>>, vector<16xf32>,
    %get3A_94 = vector.shape_cast %get3A_93 : vector<16xf32> to vector<16xf32>
    %sub3A_95 = arith.subf %get3A_4, %get3A_94 : vector<16xf32>
    %mul3A_96 = arith.constant 4.000000e+01 : f32
    %mul3A_97 = vector.broadcast %mul3A_96 : f32 to vector<16xf32>
    %mul3A_98 = arith.mulf %mul3A_97, %sub3A_95 : vector<16xf32>
    %neg3A_99 = arith.constant 0.000000e+00 : f32
    %neg3A_100 = vector.broadcast %neg3A_99 : f32 to vector<16xf32>
    %neg3A_101 = arith.subf %neg3A_100, %mul3A_98 : vector<16xf32>
    %exp3A_102 = math.exp %neg3A_101 : vector<16xf32>
    %add3A_103 = arith.constant 1.000000e+00 : f32
    %add3A_104 = vector.broadcast %add3A_103 : f32 to vector<16xf32>
    %add3A_105 = arith.addf %add3A_104, %exp3A_102 : vector<16xf32>
    %div3A_106 = arith.constant 1.000000e+00 : f32
    %div3A_107 = vector.broadcast %div3A_106 : f32 to vector<16xf32>
    %div3A_108 = arith.divf %div3A_107, %add3A_105 : vector<16xf32>
    %add3A_109 = arith.addf %add3A_91, %div3A_108 : vector<16xf32>
    %get3A_110 = arith.constant 96 : index
    %get3A_111 = tpu.vector_load %arg5[%get3A_110] {strides = array<i32>} : memref<512xf32, #tpu.memory_space<vmem>>, vector<16xf32>,
    %get3A_112 = vector.shape_cast %get3A_111 : vector<16xf32> to vector<16xf32>
    %sub3A_113 = arith.subf %get3A_4, %get3A_112 : vector<16xf32>
    %mul3A_114 = arith.constant 4.000000e+01 : f32
    %mul3A_115 = vector.broadcast %mul3A_114 : f32 to vector<16xf32>
    %mul3A_116 = arith.mulf %mul3A_115, %sub3A_113 : vector<16xf32>
    %neg3A_117 = arith.constant 0.000000e+00 : f32
    %neg3A_118 = vector.broadcast %neg3A_117 : f32 to vector<16xf32>
    %neg3A_119 = arith.subf %neg3A_118, %mul3A_116 : vector<16xf32>
    %exp3A_120 = math.exp %neg3A_119 : vector<16xf32>
    %add3A_121 = arith.constant 1.000000e+00 : f32
    %add3A_122 = vector.broadcast %add3A_121 : f32 to vector<16xf32>
    %add3A_123 = arith.addf %add3A_122, %exp3A_120 : vector<16xf32>
    %div3A_124 = arith.constant 1.000000e+00 : f32
    %div3A_125 = vector.broadcast %div3A_124 : f32 to vector<16xf32>
    %div3A_126 = arith.divf %div3A_125, %add3A_123 : vector<16xf32>
    %add3A_127 = arith.addf %add3A_109, %div3A_126 : vector<16xf32>
    %get3A_128 = arith.constant 112 : index
    %get3A_129 = tpu.vector_load %arg5[%get3A_128] {strides = array<i32>} : memref<512xf32, #tpu.memory_space<vmem>>, vector<16xf32>,
    %get3A_130 = vector.shape_cast %get3A_129 : vector<16xf32> to vector<16xf32>
    %sub3A_131 = arith.subf %get3A_4, %get3A_130 : vector<16xf32>
    %mul3A_132 = arith.constant 4.000000e+01 : f32
    %mul3A_133 = vector.broadcast %mul3A_132 : f32 to vector<16xf32>
    %mul3A_134 = arith.mulf %mul3A_133, %sub3A_131 : vector<16xf32>
    %neg3A_135 = arith.constant 0.000000e+00 : f32
    %neg3A_136 = vector.broadcast %neg3A_135 : f32 to vector<16xf32>
    %neg3A_137 = arith.subf %neg3A_136, %mul3A_134 : vector<16xf32>
    %exp3A_138 = math.exp %neg3A_137 : vector<16xf32>
    %add3A_139 = arith.constant 1.000000e+00 : f32
    %add3A_140 = vector.broadcast %add3A_139 : f32 to vector<16xf32>
    %add3A_141 = arith.addf %add3A_140, %exp3A_138 : vector<16xf32>
    %div3A_142 = arith.constant 1.000000e+00 : f32
    %div3A_143 = vector.broadcast %div3A_142 : f32 to vector<16xf32>
    %div3A_144 = arith.divf %div3A_143, %add3A_141 : vector<16xf32>
    %add3A_145 = arith.addf %add3A_127, %div3A_144 : vector<16xf32>
    %get3A_146 = arith.constant 128 : index
    %get3A_147 = tpu.vector_load %arg5[%get3A_146] {strides = array<i32>} : memref<512xf32, #tpu.memory_space<vmem>>, vector<16xf32>,
    %get3A_148 = vector.shape_cast %get3A_147 : vector<16xf32> to vector<16xf32>
    %sub3A_149 = arith.subf %get3A_4, %get3A_148 : vector<16xf32>
    %mul3A_150 = arith.constant 4.000000e+01 : f32
    %mul3A_151 = vector.broadcast %mul3A_150 : f32 to vector<16xf32>
    %mul3A_152 = arith.mulf %mul3A_151, %sub3A_149 : vector<16xf32>
    %neg3A_153 = arith.constant 0.000000e+00 : f32
    %neg3A_154 = vector.broadcast %neg3A_153 : f32 to vector<16xf32>
    %neg3A_155 = arith.subf %neg3A_154, %mul3A_152 : vector<16xf32>
    %exp3A_156 = math.exp %neg3A_155 : vector<16xf32>
    %add3A_157 = arith.constant 1.000000e+00 : f32
    %add3A_158 = vector.broadcast %add3A_157 : f32 to vector<16xf32>
    %add3A_159 = arith.addf %add3A_158, %exp3A_156 : vector<16xf32>
    %div3A_160 = arith.constant 1.000000e+00 : f32
    %div3A_161 = vector.broadcast %div3A_160 : f32 to vector<16xf32>
    %div3A_162 = arith.divf %div3A_161, %add3A_159 : vector<16xf32>
    %add3A_163 = arith.addf %add3A_145, %div3A_162 : vector<16xf32>
    %get3A_164 = arith.constant 144 : index
    %get3A_165 = tpu.vector_load %arg5[%get3A_164] {strides = array<i32>} : memref<512xf32, #tpu.memory_space<vmem>>, vector<16xf32>,
    %get3A_166 = vector.shape_cast %get3A_165 : vector<16xf32> to vector<16xf32>
    %sub3A_167 = arith.subf %get3A_4, %get3A_166 : vector<16xf32>
    %mul3A_168 = arith.constant 4.000000e+01 : f32
    %mul3A_169 = vector.broadcast %mul3A_168 : f32 to vector<16xf32>
    %mul3A_170 = arith.mulf %mul3A_169, %sub3A_167 : vector<16xf32>
    %neg3A_171 = arith.constant 0.000000e+00 : f32
    %neg3A_172 = vector.broadcast %neg3A_171 : f32 to vector<16xf32>
    %neg3A_173 = arith.subf %neg3A_172, %mul3A_170 : vector<16xf32>
    %exp3A_174 = math.exp %neg3A_173 : vector<16xf32>
    %add3A_175 = arith.constant 1.000000e+00 : f32
    %add3A_176 = vector.broadcast %add3A_175 : f32 to vector<16xf32>
    %add3A_177 = arith.addf %add3A_176, %exp3A_174 : vector<16xf32>
    %div3A_178 = arith.constant 1.000000e+00 : f32
    %div3A_179 = vector.broadcast %div3A_178 : f32 to vector<16xf32>
    %div3A_180 = arith.divf %div3A_179, %add3A_177 : vector<16xf32>
    %add3A_181 = arith.addf %add3A_163, %div3A_180 : vector<16xf32>
    %get3A_182 = arith.constant 160 : index
    %get3A_183 = tpu.vector_load %arg5[%get3A_182] {strides = array<i32>} : memref<512xf32, #tpu.memory_space<vmem>>, vector<16xf32>,
    %get3A_184 = vector.shape_cast %get3A_183 : vector<16xf32> to vector<16xf32>
    %sub3A_185 = arith.subf %get3A_4, %get3A_184 : vector<16xf32>
    %mul3A_186 = arith.constant 4.000000e+01 : f32
    %mul3A_187 = vector.broadcast %mul3A_186 : f32 to vector<16xf32>
    %mul3A_188 = arith.mulf %mul3A_187, %sub3A_185 : vector<16xf32>
    %neg3A_189 = arith.constant 0.000000e+00 : f32
    %neg3A_190 = vector.broadcast %neg3A_189 : f32 to vector<16xf32>
    %neg3A_191 = arith.subf %neg3A_190, %mul3A_188 : vector<16xf32>
    %exp3A_192 = math.exp %neg3A_191 : vector<16xf32>
    %add3A_193 = arith.constant 1.000000e+00 : f32
    %add3A_194 = vector.broadcast %add3A_193 : f32 to vector<16xf32>
    %add3A_195 = arith.addf %add3A_194, %exp3A_192 : vector<16xf32>
    %div3A_196 = arith.constant 1.000000e+00 : f32
    %div3A_197 = vector.broadcast %div3A_196 : f32 to vector<16xf32>
    %div3A_198 = arith.divf %div3A_197, %add3A_195 : vector<16xf32>
    %add3A_199 = arith.addf %add3A_181, %div3A_198 : vector<16xf32>
    %get3A_200 = arith.constant 176 : index
    %get3A_201 = tpu.vector_load %arg5[%get3A_200] {strides = array<i32>} : memref<512xf32, #tpu.memory_space<vmem>>, vector<16xf32>,
    %get3A_202 = vector.shape_cast %get3A_201 : vector<16xf32> to vector<16xf32>
    %sub3A_203 = arith.subf %get3A_4, %get3A_202 : vector<16xf32>
    %mul3A_204 = arith.constant 4.000000e+01 : f32
    %mul3A_205 = vector.broadcast %mul3A_204 : f32 to vector<16xf32>
    %mul3A_206 = arith.mulf %mul3A_205, %sub3A_203 : vector<16xf32>
    %neg3A_207 = arith.constant 0.000000e+00 : f32
    %neg3A_208 = vector.broadcast %neg3A_207 : f32 to vector<16xf32>
    %neg3A_209 = arith.subf %neg3A_208, %mul3A_206 : vector<16xf32>
    %exp3A_210 = math.exp %neg3A_209 : vector<16xf32>
    %add3A_211 = arith.constant 1.000000e+00 : f32
    %add3A_212 = vector.broadcast %add3A_211 : f32 to vector<16xf32>
    %add3A_213 = arith.addf %add3A_212, %exp3A_210 : vector<16xf32>
    %div3A_214 = arith.constant 1.000000e+00 : f32
    %div3A_215 = vector.broadcast %div3A_214 : f32 to vector<16xf32>
    %div3A_216 = arith.divf %div3A_215, %add3A_213 : vector<16xf32>
    %add3A_217 = arith.addf %add3A_199, %div3A_216 : vector<16xf32>
    %get3A_218 = arith.constant 192 : index
    %get3A_219 = tpu.vector_load %arg5[%get3A_218] {strides = array<i32>} : memref<512xf32, #tpu.memory_space<vmem>>, vector<16xf32>,
    %get3A_220 = vector.shape_cast %get3A_219 : vector<16xf32> to vector<16xf32>
    %sub3A_221 = arith.subf %get3A_4, %get3A_220 : vector<16xf32>
    %mul3A_222 = arith.constant 4.000000e+01 : f32
    %mul3A_223 = vector.broadcast %mul3A_222 : f32 to vector<16xf32>
    %mul3A_224 = arith.mulf %mul3A_223, %sub3A_221 : vector<16xf32>
    %neg3A_225 = arith.constant 0.000000e+00 : f32
    %neg3A_226 = vector.broadcast %neg3A_225 : f32 to vector<16xf32>
    %neg3A_227 = arith.subf %neg3A_226, %mul3A_224 : vector<16xf32>
    %exp3A_228 = math.exp %neg3A_227 : vector<16xf32>
    %add3A_229 = arith.constant 1.000000e+00 : f32
    %add3A_230 = vector.broadcast %add3A_229 : f32 to vector<16xf32>
    %add3A_231 = arith.addf %add3A_230, %exp3A_228 : vector<16xf32>
    %div3A_232 = arith.constant 1.000000e+00 : f32
    %div3A_233 = vector.broadcast %div3A_232 : f32 to vector<16xf32>
    %div3A_234 = arith.divf %div3A_233, %add3A_231 : vector<16xf32>
    %add3A_235 = arith.addf %add3A_217, %div3A_234 : vector<16xf32>
    %get3A_236 = arith.constant 208 : index
    %get3A_237 = tpu.vector_load %arg5[%get3A_236] {strides = array<i32>} : memref<512xf32, #tpu.memory_space<vmem>>, vector<16xf32>,
    %get3A_238 = vector.shape_cast %get3A_237 : vector<16xf32> to vector<16xf32>
    %sub3A_239 = arith.subf %get3A_4, %get3A_238 : vector<16xf32>
    %mul3A_240 = arith.constant 4.000000e+01 : f32
    %mul3A_241 = vector.broadcast %mul3A_240 : f32 to vector<16xf32>
    %mul3A_242 = arith.mulf %mul3A_241, %sub3A_239 : vector<16xf32>
    %neg3A_243 = arith.constant 0.000000e+00 : f32
    %neg3A_244 = vector.broadcast %neg3A_243 : f32 to vector<16xf32>
    %neg3A_245 = arith.subf %neg3A_244, %mul3A_242 : vector<16xf32>
    %exp3A_246 = math.exp %neg3A_245 : vector<16xf32>
    %add3A_247 = arith.constant 1.000000e+00 : f32
    %add3A_248 = vector.broadcast %add3A_247 : f32 to vector<16xf32>
    %add3A_249 = arith.addf %add3A_248, %exp3A_246 : vector<16xf32>
    %div3A_250 = arith.constant 1.000000e+00 : f32
    %div3A_251 = vector.broadcast %div3A_250 : f32 to vector<16xf32>
    %div3A_252 = arith.divf %div3A_251, %add3A_249 : vector<16xf32>
    %add3A_253 = arith.addf %add3A_235, %div3A_252 : vector<16xf32>
    %get3A_254 = arith.constant 224 : index
    %get3A_255 = tpu.vector_load %arg5[%get3A_254] {strides = array<i32>} : memref<512xf32, #tpu.memory_space<vmem>>, vector<16xf32>,
    %get3A_256 = vector.shape_cast %get3A_255 : vector<16xf32> to vector<16xf32>
    %sub3A_257 = arith.subf %get3A_4, %get3A_256 : vector<16xf32>
    %mul3A_258 = arith.constant 4.000000e+01 : f32
    %mul3A_259 = vector.broadcast %mul3A_258 : f32 to vector<16xf32>
    %mul3A_260 = arith.mulf %mul3A_259, %sub3A_257 : vector<16xf32>
    %neg3A_261 = arith.constant 0.000000e+00 : f32
    %neg3A_262 = vector.broadcast %neg3A_261 : f32 to vector<16xf32>
    %neg3A_263 = arith.subf %neg3A_262, %mul3A_260 : vector<16xf32>
    %exp3A_264 = math.exp %neg3A_263 : vector<16xf32>
    %add3A_265 = arith.constant 1.000000e+00 : f32
    %add3A_266 = vector.broadcast %add3A_265 : f32 to vector<16xf32>
    %add3A_267 = arith.addf %add3A_266, %exp3A_264 : vector<16xf32>
    %div3A_268 = arith.constant 1.000000e+00 : f32
    %div3A_269 = vector.broadcast %div3A_268 : f32 to vector<16xf32>
    %div3A_270 = arith.divf %div3A_269, %add3A_267 : vector<16xf32>
    %add3A_271 = arith.addf %add3A_253, %div3A_270 : vector<16xf32>
    %get3A_272 = arith.constant 240 : index
    %get3A_273 = tpu.vector_load %arg5[%get3A_272] {strides = array<i32>} : memref<512xf32, #tpu.memory_space<vmem>>, vector<16xf32>,
    %get3A_274 = vector.shape_cast %get3A_273 : vector<16xf32> to vector<16xf32>
    %sub3A_275 = arith.subf %get3A_4, %get3A_274 : vector<16xf32>
    %mul3A_276 = arith.constant 4.000000e+01 : f32
    %mul3A_277 = vector.broadcast %mul3A_276 : f32 to vector<16xf32>
    %mul3A_278 = arith.mulf %mul3A_277, %sub3A_275 : vector<16xf32>
    %neg3A_279 = arith.constant 0.000000e+00 : f32
    %neg3A_280 = vector.broadcast %neg3A_279 : f32 to vector<16xf32>
    %neg3A_281 = arith.subf %neg3A_280, %mul3A_278 : vector<16xf32>
    %exp3A_282 = math.exp %neg3A_281 : vector<16xf32>
    %add3A_283 = arith.constant 1.000000e+00 : f32
    %add3A_284 = vector.broadcast %add3A_283 : f32 to vector<16xf32>
    %add3A_285 = arith.addf %add3A_284, %exp3A_282 : vector<16xf32>
    %div3A_286 = arith.constant 1.000000e+00 : f32
    %div3A_287 = vector.broadcast %div3A_286 : f32 to vector<16xf32>
    %div3A_288 = arith.divf %div3A_287, %add3A_285 : vector<16xf32>
    %add3A_289 = arith.addf %add3A_271, %div3A_288 : vector<16xf32>
    %get3A_290 = arith.constant 256 : index
    %get3A_291 = tpu.vector_load %arg5[%get3A_290] {strides = array<i32>} : memref<512xf32, #tpu.memory_space<vmem>>, vector<16xf32>,
    %get3A_292 = vector.shape_cast %get3A_291 : vector<16xf32> to vector<16xf32>
    %sub3A_293 = arith.subf %get3A_4, %get3A_292 : vector<16xf32>
    %mul3A_294 = arith.constant 4.000000e+01 : f32
    %mul3A_295 = vector.broadcast %mul3A_294 : f32 to vector<16xf32>
    %mul3A_296 = arith.mulf %mul3A_295, %sub3A_293 : vector<16xf32>
    %neg3A_297 = arith.constant 0.000000e+00 : f32
    %neg3A_298 = vector.broadcast %neg3A_297 : f32 to vector<16xf32>
    %neg3A_299 = arith.subf %neg3A_298, %mul3A_296 : vector<16xf32>
    %exp3A_300 = math.exp %neg3A_299 : vector<16xf32>
    %add3A_301 = arith.constant 1.000000e+00 : f32
    %add3A_302 = vector.broadcast %add3A_301 : f32 to vector<16xf32>
    %add3A_303 = arith.addf %add3A_302, %exp3A_300 : vector<16xf32>
    %div3A_304 = arith.constant 1.000000e+00 : f32
    %div3A_305 = vector.broadcast %div3A_304 : f32 to vector<16xf32>
    %div3A_306 = arith.divf %div3A_305, %add3A_303 : vector<16xf32>
    %add3A_307 = arith.addf %add3A_289, %div3A_306 : vector<16xf32>
    %get3A_308 = arith.constant 272 : index
    %get3A_309 = tpu.vector_load %arg5[%get3A_308] {strides = array<i32>} : memref<512xf32, #tpu.memory_space<vmem>>, vector<16xf32>,
    %get3A_310 = vector.shape_cast %get3A_309 : vector<16xf32> to vector<16xf32>
    %sub3A_311 = arith.subf %get3A_4, %get3A_310 : vector<16xf32>
    %mul3A_312 = arith.constant 4.000000e+01 : f32
    %mul3A_313 = vector.broadcast %mul3A_312 : f32 to vector<16xf32>
    %mul3A_314 = arith.mulf %mul3A_313, %sub3A_311 : vector<16xf32>
    %neg3A_315 = arith.constant 0.000000e+00 : f32
    %neg3A_316 = vector.broadcast %neg3A_315 : f32 to vector<16xf32>
    %neg3A_317 = arith.subf %neg3A_316, %mul3A_314 : vector<16xf32>
    %exp3A_318 = math.exp %neg3A_317 : vector<16xf32>
    %add3A_319 = arith.constant 1.000000e+00 : f32
    %add3A_320 = vector.broadcast %add3A_319 : f32 to vector<16xf32>
    %add3A_321 = arith.addf %add3A_320, %exp3A_318 : vector<16xf32>
    %div3A_322 = arith.constant 1.000000e+00 : f32
    %div3A_323 = vector.broadcast %div3A_322 : f32 to vector<16xf32>
    %div3A_324 = arith.divf %div3A_323, %add3A_321 : vector<16xf32>
    %add3A_325 = arith.addf %add3A_307, %div3A_324 : vector<16xf32>
    %get3A_326 = arith.constant 288 : index
    %get3A_327 = tpu.vector_load %arg5[%get3A_326] {strides = array<i32>} : memref<512xf32, #tpu.memory_space<vmem>>, vector<16xf32>,
    %get3A_328 = vector.shape_cast %get3A_327 : vector<16xf32> to vector<16xf32>
    %sub3A_329 = arith.subf %get3A_4, %get3A_328 : vector<16xf32>
    %mul3A_330 = arith.constant 4.000000e+01 : f32
    %mul3A_331 = vector.broadcast %mul3A_330 : f32 to vector<16xf32>
    %mul3A_332 = arith.mulf %mul3A_331, %sub3A_329 : vector<16xf32>
    %neg3A_333 = arith.constant 0.000000e+00 : f32
    %neg3A_334 = vector.broadcast %neg3A_333 : f32 to vector<16xf32>
    %neg3A_335 = arith.subf %neg3A_334, %mul3A_332 : vector<16xf32>
    %exp3A_336 = math.exp %neg3A_335 : vector<16xf32>
    %add3A_337 = arith.constant 1.000000e+00 : f32
    %add3A_338 = vector.broadcast %add3A_337 : f32 to vector<16xf32>
    %add3A_339 = arith.addf %add3A_338, %exp3A_336 : vector<16xf32>
    %div3A_340 = arith.constant 1.000000e+00 : f32
    %div3A_341 = vector.broadcast %div3A_340 : f32 to vector<16xf32>
    %div3A_342 = arith.divf %div3A_341, %add3A_339 : vector<16xf32>
    %add3A_343 = arith.addf %add3A_325, %div3A_342 : vector<16xf32>
    %get3A_344 = arith.constant 304 : index
    %get3A_345 = tpu.vector_load %arg5[%get3A_344] {strides = array<i32>} : memref<512xf32, #tpu.memory_space<vmem>>, vector<16xf32>,
    %get3A_346 = vector.shape_cast %get3A_345 : vector<16xf32> to vector<16xf32>
    %sub3A_347 = arith.subf %get3A_4, %get3A_346 : vector<16xf32>
    %mul3A_348 = arith.constant 4.000000e+01 : f32
    %mul3A_349 = vector.broadcast %mul3A_348 : f32 to vector<16xf32>
    %mul3A_350 = arith.mulf %mul3A_349, %sub3A_347 : vector<16xf32>
    %neg3A_351 = arith.constant 0.000000e+00 : f32
    %neg3A_352 = vector.broadcast %neg3A_351 : f32 to vector<16xf32>
    %neg3A_353 = arith.subf %neg3A_352, %mul3A_350 : vector<16xf32>
    %exp3A_354 = math.exp %neg3A_353 : vector<16xf32>
    %add3A_355 = arith.constant 1.000000e+00 : f32
    %add3A_356 = vector.broadcast %add3A_355 : f32 to vector<16xf32>
    %add3A_357 = arith.addf %add3A_356, %exp3A_354 : vector<16xf32>
    %div3A_358 = arith.constant 1.000000e+00 : f32
    %div3A_359 = vector.broadcast %div3A_358 : f32 to vector<16xf32>
    %div3A_360 = arith.divf %div3A_359, %add3A_357 : vector<16xf32>
    %add3A_361 = arith.addf %add3A_343, %div3A_360 : vector<16xf32>
    %get3A_362 = arith.constant 320 : index
    %get3A_363 = tpu.vector_load %arg5[%get3A_362] {strides = array<i32>} : memref<512xf32, #tpu.memory_space<vmem>>, vector<16xf32>,
    %get3A_364 = vector.shape_cast %get3A_363 : vector<16xf32> to vector<16xf32>
    %sub3A_365 = arith.subf %get3A_4, %get3A_364 : vector<16xf32>
    %mul3A_366 = arith.constant 4.000000e+01 : f32
    %mul3A_367 = vector.broadcast %mul3A_366 : f32 to vector<16xf32>
    %mul3A_368 = arith.mulf %mul3A_367, %sub3A_365 : vector<16xf32>
    %neg3A_369 = arith.constant 0.000000e+00 : f32
    %neg3A_370 = vector.broadcast %neg3A_369 : f32 to vector<16xf32>
    %neg3A_371 = arith.subf %neg3A_370, %mul3A_368 : vector<16xf32>
    %exp3A_372 = math.exp %neg3A_371 : vector<16xf32>
    %add3A_373 = arith.constant 1.000000e+00 : f32
    %add3A_374 = vector.broadcast %add3A_373 : f32 to vector<16xf32>
    %add3A_375 = arith.addf %add3A_374, %exp3A_372 : vector<16xf32>
    %div3A_376 = arith.constant 1.000000e+00 : f32
    %div3A_377 = vector.broadcast %div3A_376 : f32 to vector<16xf32>
    %div3A_378 = arith.divf %div3A_377, %add3A_375 : vector<16xf32>
    %add3A_379 = arith.addf %add3A_361, %div3A_378 : vector<16xf32>
    %get3A_380 = arith.constant 336 : index
    %get3A_381 = tpu.vector_load %arg5[%get3A_380] {strides = array<i32>} : memref<512xf32, #tpu.memory_space<vmem>>, vector<16xf32>,
    %get3A_382 = vector.shape_cast %get3A_381 : vector<16xf32> to vector<16xf32>
    %sub3A_383 = arith.subf %get3A_4, %get3A_382 : vector<16xf32>
    %mul3A_384 = arith.constant 4.000000e+01 : f32
    %mul3A_385 = vector.broadcast %mul3A_384 : f32 to vector<16xf32>
    %mul3A_386 = arith.mulf %mul3A_385, %sub3A_383 : vector<16xf32>
    %neg3A_387 = arith.constant 0.000000e+00 : f32
    %neg3A_388 = vector.broadcast %neg3A_387 : f32 to vector<16xf32>
    %neg3A_389 = arith.subf %neg3A_388, %mul3A_386 : vector<16xf32>
    %exp3A_390 = math.exp %neg3A_389 : vector<16xf32>
    %add3A_391 = arith.constant 1.000000e+00 : f32
    %add3A_392 = vector.broadcast %add3A_391 : f32 to vector<16xf32>
    %add3A_393 = arith.addf %add3A_392, %exp3A_390 : vector<16xf32>
    %div3A_394 = arith.constant 1.000000e+00 : f32
    %div3A_395 = vector.broadcast %div3A_394 : f32 to vector<16xf32>
    %div3A_396 = arith.divf %div3A_395, %add3A_393 : vector<16xf32>
    %add3A_397 = arith.addf %add3A_379, %div3A_396 : vector<16xf32>
    %get3A_398 = arith.constant 352 : index
    %get3A_399 = tpu.vector_load %arg5[%get3A_398] {strides = array<i32>} : memref<512xf32, #tpu.memory_space<vmem>>, vector<16xf32>,
    %get3A_400 = vector.shape_cast %get3A_399 : vector<16xf32> to vector<16xf32>
    %sub3A_401 = arith.subf %get3A_4, %get3A_400 : vector<16xf32>
    %mul3A_402 = arith.constant 4.000000e+01 : f32
    %mul3A_403 = vector.broadcast %mul3A_402 : f32 to vector<16xf32>
    %mul3A_404 = arith.mulf %mul3A_403, %sub3A_401 : vector<16xf32>
    %neg3A_405 = arith.constant 0.000000e+00 : f32
    %neg3A_406 = vector.broadcast %neg3A_405 : f32 to vector<16xf32>
    %neg3A_407 = arith.subf %neg3A_406, %mul3A_404 : vector<16xf32>
    %exp3A_408 = math.exp %neg3A_407 : vector<16xf32>
    %add3A_409 = arith.constant 1.000000e+00 : f32
    %add3A_410 = vector.broadcast %add3A_409 : f32 to vector<16xf32>
    %add3A_411 = arith.addf %add3A_410, %exp3A_408 : vector<16xf32>
    %div3A_412 = arith.constant 1.000000e+00 : f32
    %div3A_413 = vector.broadcast %div3A_412 : f32 to vector<16xf32>
    %div3A_414 = arith.divf %div3A_413, %add3A_411 : vector<16xf32>
    %add3A_415 = arith.addf %add3A_397, %div3A_414 : vector<16xf32>
    %get3A_416 = arith.constant 368 : index
    %get3A_417 = tpu.vector_load %arg5[%get3A_416] {strides = array<i32>} : memref<512xf32, #tpu.memory_space<vmem>>, vector<16xf32>,
    %get3A_418 = vector.shape_cast %get3A_417 : vector<16xf32> to vector<16xf32>
    %sub3A_419 = arith.subf %get3A_4, %get3A_418 : vector<16xf32>
    %mul3A_420 = arith.constant 4.000000e+01 : f32
    %mul3A_421 = vector.broadcast %mul3A_420 : f32 to vector<16xf32>
    %mul3A_422 = arith.mulf %mul3A_421, %sub3A_419 : vector<16xf32>
    %neg3A_423 = arith.constant 0.000000e+00 : f32
    %neg3A_424 = vector.broadcast %neg3A_423 : f32 to vector<16xf32>
    %neg3A_425 = arith.subf %neg3A_424, %mul3A_422 : vector<16xf32>
    %exp3A_426 = math.exp %neg3A_425 : vector<16xf32>
    %add3A_427 = arith.constant 1.000000e+00 : f32
    %add3A_428 = vector.broadcast %add3A_427 : f32 to vector<16xf32>
    %add3A_429 = arith.addf %add3A_428, %exp3A_426 : vector<16xf32>
    %div3A_430 = arith.constant 1.000000e+00 : f32
    %div3A_431 = vector.broadcast %div3A_430 : f32 to vector<16xf32>
    %div3A_432 = arith.divf %div3A_431, %add3A_429 : vector<16xf32>
    %add3A_433 = arith.addf %add3A_415, %div3A_432 : vector<16xf32>
    %get3A_434 = arith.constant 384 : index
    %get3A_435 = tpu.vector_load %arg5[%get3A_434] {strides = array<i32>} : memref<512xf32, #tpu.memory_space<vmem>>, vector<16xf32>,
    %get3A_436 = vector.shape_cast %get3A_435 : vector<16xf32> to vector<16xf32>
    %sub3A_437 = arith.subf %get3A_4, %get3A_436 : vector<16xf32>
    %mul3A_438 = arith.constant 4.000000e+01 : f32
    %mul3A_439 = vector.broadcast %mul3A_438 : f32 to vector<16xf32>
    %mul3A_440 = arith.mulf %mul3A_439, %sub3A_437 : vector<16xf32>
    %neg3A_441 = arith.constant 0.000000e+00 : f32
    %neg3A_442 = vector.broadcast %neg3A_441 : f32 to vector<16xf32>
    %neg3A_443 = arith.subf %neg3A_442, %mul3A_440 : vector<16xf32>
    %exp3A_444 = math.exp %neg3A_443 : vector<16xf32>
    %add3A_445 = arith.constant 1.000000e+00 : f32
    %add3A_446 = vector.broadcast %add3A_445 : f32 to vector<16xf32>
    %add3A_447 = arith.addf %add3A_446, %exp3A_444 : vector<16xf32>
    %div3A_448 = arith.constant 1.000000e+00 : f32
    %div3A_449 = vector.broadcast %div3A_448 : f32 to vector<16xf32>
    %div3A_450 = arith.divf %div3A_449, %add3A_447 : vector<16xf32>
    %add3A_451 = arith.addf %add3A_433, %div3A_450 : vector<16xf32>
    %get3A_452 = arith.constant 400 : index
    %get3A_453 = tpu.vector_load %arg5[%get3A_452] {strides = array<i32>} : memref<512xf32, #tpu.memory_space<vmem>>, vector<16xf32>,
    %get3A_454 = vector.shape_cast %get3A_453 : vector<16xf32> to vector<16xf32>
    %sub3A_455 = arith.subf %get3A_4, %get3A_454 : vector<16xf32>
    %mul3A_456 = arith.constant 4.000000e+01 : f32
    %mul3A_457 = vector.broadcast %mul3A_456 : f32 to vector<16xf32>
    %mul3A_458 = arith.mulf %mul3A_457, %sub3A_455 : vector<16xf32>
    %neg3A_459 = arith.constant 0.000000e+00 : f32
    %neg3A_460 = vector.broadcast %neg3A_459 : f32 to vector<16xf32>
    %neg3A_461 = arith.subf %neg3A_460, %mul3A_458 : vector<16xf32>
    %exp3A_462 = math.exp %neg3A_461 : vector<16xf32>
    %add3A_463 = arith.constant 1.000000e+00 : f32
    %add3A_464 = vector.broadcast %add3A_463 : f32 to vector<16xf32>
    %add3A_465 = arith.addf %add3A_464, %exp3A_462 : vector<16xf32>
    %div3A_466 = arith.constant 1.000000e+00 : f32
    %div3A_467 = vector.broadcast %div3A_466 : f32 to vector<16xf32>
    %div3A_468 = arith.divf %div3A_467, %add3A_465 : vector<16xf32>
    %add3A_469 = arith.addf %add3A_451, %div3A_468 : vector<16xf32>
    %get3A_470 = arith.constant 416 : index
    %get3A_471 = tpu.vector_load %arg5[%get3A_470] {strides = array<i32>} : memref<512xf32, #tpu.memory_space<vmem>>, vector<16xf32>,
    %get3A_472 = vector.shape_cast %get3A_471 : vector<16xf32> to vector<16xf32>
    %sub3A_473 = arith.subf %get3A_4, %get3A_472 : vector<16xf32>
    %mul3A_474 = arith.constant 4.000000e+01 : f32
    %mul3A_475 = vector.broadcast %mul3A_474 : f32 to vector<16xf32>
    %mul3A_476 = arith.mulf %mul3A_475, %sub3A_473 : vector<16xf32>
    %neg3A_477 = arith.constant 0.000000e+00 : f32
    %neg3A_478 = vector.broadcast %neg3A_477 : f32 to vector<16xf32>
    %neg3A_479 = arith.subf %neg3A_478, %mul3A_476 : vector<16xf32>
    %exp3A_480 = math.exp %neg3A_479 : vector<16xf32>
    %add3A_481 = arith.constant 1.000000e+00 : f32
    %add3A_482 = vector.broadcast %add3A_481 : f32 to vector<16xf32>
    %add3A_483 = arith.addf %add3A_482, %exp3A_480 : vector<16xf32>
    %div3A_484 = arith.constant 1.000000e+00 : f32
    %div3A_485 = vector.broadcast %div3A_484 : f32 to vector<16xf32>
    %div3A_486 = arith.divf %div3A_485, %add3A_483 : vector<16xf32>
    %add3A_487 = arith.addf %add3A_469, %div3A_486 : vector<16xf32>
    %get3A_488 = arith.constant 432 : index
    %get3A_489 = tpu.vector_load %arg5[%get3A_488] {strides = array<i32>} : memref<512xf32, #tpu.memory_space<vmem>>, vector<16xf32>,
    %get3A_490 = vector.shape_cast %get3A_489 : vector<16xf32> to vector<16xf32>
    %sub3A_491 = arith.subf %get3A_4, %get3A_490 : vector<16xf32>
    %mul3A_492 = arith.constant 4.000000e+01 : f32
    %mul3A_493 = vector.broadcast %mul3A_492 : f32 to vector<16xf32>
    %mul3A_494 = arith.mulf %mul3A_493, %sub3A_491 : vector<16xf32>
    %neg3A_495 = arith.constant 0.000000e+00 : f32
    %neg3A_496 = vector.broadcast %neg3A_495 : f32 to vector<16xf32>
    %neg3A_497 = arith.subf %neg3A_496, %mul3A_494 : vector<16xf32>
    %exp3A_498 = math.exp %neg3A_497 : vector<16xf32>
    %add3A_499 = arith.constant 1.000000e+00 : f32
    %add3A_500 = vector.broadcast %add3A_499 : f32 to vector<16xf32>
    %add3A_501 = arith.addf %add3A_500, %exp3A_498 : vector<16xf32>
    %div3A_502 = arith.constant 1.000000e+00 : f32
    %div3A_503 = vector.broadcast %div3A_502 : f32 to vector<16xf32>
    %div3A_504 = arith.divf %div3A_503, %add3A_501 : vector<16xf32>
    %add3A_505 = arith.addf %add3A_487, %div3A_504 : vector<16xf32>
    %get3A_506 = arith.constant 448 : index
    %get3A_507 = tpu.vector_load %arg5[%get3A_506] {strides = array<i32>} : memref<512xf32, #tpu.memory_space<vmem>>, vector<16xf32>,
    %get3A_508 = vector.shape_cast %get3A_507 : vector<16xf32> to vector<16xf32>
    %sub3A_509 = arith.subf %get3A_4, %get3A_508 : vector<16xf32>
    %mul3A_510 = arith.constant 4.000000e+01 : f32
    %mul3A_511 = vector.broadcast %mul3A_510 : f32 to vector<16xf32>
    %mul3A_512 = arith.mulf %mul3A_511, %sub3A_509 : vector<16xf32>
    %neg3A_513 = arith.constant 0.000000e+00 : f32
    %neg3A_514 = vector.broadcast %neg3A_513 : f32 to vector<16xf32>
    %neg3A_515 = arith.subf %neg3A_514, %mul3A_512 : vector<16xf32>
    %exp3A_516 = math.exp %neg3A_515 : vector<16xf32>
    %add3A_517 = arith.constant 1.000000e+00 : f32
    %add3A_518 = vector.broadcast %add3A_517 : f32 to vector<16xf32>
    %add3A_519 = arith.addf %add3A_518, %exp3A_516 : vector<16xf32>
    %div3A_520 = arith.constant 1.000000e+00 : f32
    %div3A_521 = vector.broadcast %div3A_520 : f32 to vector<16xf32>
    %div3A_522 = arith.divf %div3A_521, %add3A_519 : vector<16xf32>
    %add3A_523 = arith.addf %add3A_505, %div3A_522 : vector<16xf32>
    %get3A_524 = arith.constant 464 : index
    %get3A_525 = tpu.vector_load %arg5[%get3A_524] {strides = array<i32>} : memref<512xf32, #tpu.memory_space<vmem>>, vector<16xf32>,
    %get3A_526 = vector.shape_cast %get3A_525 : vector<16xf32> to vector<16xf32>
    %sub3A_527 = arith.subf %get3A_4, %get3A_526 : vector<16xf32>
    %mul3A_528 = arith.constant 4.000000e+01 : f32
    %mul3A_529 = vector.broadcast %mul3A_528 : f32 to vector<16xf32>
    %mul3A_530 = arith.mulf %mul3A_529, %sub3A_527 : vector<16xf32>
    %neg3A_531 = arith.constant 0.000000e+00 : f32
    %neg3A_532 = vector.broadcast %neg3A_531 : f32 to vector<16xf32>
    %neg3A_533 = arith.subf %neg3A_532, %mul3A_530 : vector<16xf32>
    %exp3A_534 = math.exp %neg3A_533 : vector<16xf32>
    %add3A_535 = arith.constant 1.000000e+00 : f32
    %add3A_536 = vector.broadcast %add3A_535 : f32 to vector<16xf32>
    %add3A_537 = arith.addf %add3A_536, %exp3A_534 : vector<16xf32>
    %div3A_538 = arith.constant 1.000000e+00 : f32
    %div3A_539 = vector.broadcast %div3A_538 : f32 to vector<16xf32>
    %div3A_540 = arith.divf %div3A_539, %add3A_537 : vector<16xf32>
    %add3A_541 = arith.addf %add3A_523, %div3A_540 : vector<16xf32>
    %get3A_542 = arith.constant 480 : index
    %get3A_543 = tpu.vector_load %arg5[%get3A_542] {strides = array<i32>} : memref<512xf32, #tpu.memory_space<vmem>>, vector<16xf32>,
    %get3A_544 = vector.shape_cast %get3A_543 : vector<16xf32> to vector<16xf32>
    %sub3A_545 = arith.subf %get3A_4, %get3A_544 : vector<16xf32>
    %mul3A_546 = arith.constant 4.000000e+01 : f32
    %mul3A_547 = vector.broadcast %mul3A_546 : f32 to vector<16xf32>
    %mul3A_548 = arith.mulf %mul3A_547, %sub3A_545 : vector<16xf32>
    %neg3A_549 = arith.constant 0.000000e+00 : f32
    %neg3A_550 = vector.broadcast %neg3A_549 : f32 to vector<16xf32>
    %neg3A_551 = arith.subf %neg3A_550, %mul3A_548 : vector<16xf32>
    %exp3A_552 = math.exp %neg3A_551 : vector<16xf32>
    %add3A_553 = arith.constant 1.000000e+00 : f32
    %add3A_554 = vector.broadcast %add3A_553 : f32 to vector<16xf32>
    %add3A_555 = arith.addf %add3A_554, %exp3A_552 : vector<16xf32>
    %div3A_556 = arith.constant 1.000000e+00 : f32
    %div3A_557 = vector.broadcast %div3A_556 : f32 to vector<16xf32>
    %div3A_558 = arith.divf %div3A_557, %add3A_555 : vector<16xf32>
    %add3A_559 = arith.addf %add3A_541, %div3A_558 : vector<16xf32>
    %get3A_560 = arith.constant 496 : index
    %get3A_561 = tpu.vector_load %arg5[%get3A_560] {strides = array<i32>} : memref<512xf32, #tpu.memory_space<vmem>>, vector<16xf32>,
    %get3A_562 = vector.shape_cast %get3A_561 : vector<16xf32> to vector<16xf32>
    %sub3A_563 = arith.subf %get3A_4, %get3A_562 : vector<16xf32>
    %mul3A_564 = arith.constant 4.000000e+01 : f32
    %mul3A_565 = vector.broadcast %mul3A_564 : f32 to vector<16xf32>
    %mul3A_566 = arith.mulf %mul3A_565, %sub3A_563 : vector<16xf32>
    %neg3A_567 = arith.constant 0.000000e+00 : f32
    %neg3A_568 = vector.broadcast %neg3A_567 : f32 to vector<16xf32>
    %neg3A_569 = arith.subf %neg3A_568, %mul3A_566 : vector<16xf32>
    %exp3A_570 = math.exp %neg3A_569 : vector<16xf32>
    %add3A_571 = arith.constant 1.000000e+00 : f32
    %add3A_572 = vector.broadcast %add3A_571 : f32 to vector<16xf32>
    %add3A_573 = arith.addf %add3A_572, %exp3A_570 : vector<16xf32>
    %div3A_574 = arith.constant 1.000000e+00 : f32
    %div3A_575 = vector.broadcast %div3A_574 : f32 to vector<16xf32>
    %div3A_576 = arith.divf %div3A_575, %add3A_573 : vector<16xf32>
    %add3A_577 = arith.addf %add3A_559, %div3A_576 : vector<16xf32>
    %swap3A = arith.constant 0 : index
    %swap3A_578 = tpu.vector_load %arg7[%swap3A] {strides = array<i32>} : memref<16xf32, #tpu.memory_space<vmem>>, vector<16xf32>,
    %swap3A_579 = vector.shape_cast %swap3A_578 : vector<16xf32> to vector<16xf32>
    %swap3A_580 = vector.shape_cast %add3A_577 : vector<16xf32> to vector<16xf32>
    tpu.vector_store %arg7[%swap3A], %swap3A_580 {strides = array<i32>} : memref<16xf32, #tpu.memory_space<vmem>>, vector<16xf32>,
    "tpu.region"() ({
      %run_scoped3A = tpu.sem_alloc : memref<!tpu.dma_semaphore, #tpu.memory_space<semaphore_mem>>
      %dma_start3A = arith.constant 0 : i32
      %dma_start3A_581 = tpu.memref_slice %arg4[%add3A, %dma_start3A] : memref<32x16xf32, #tpu.memory_space<hbm>> -> memref<1x16xf32, #tpu.memory_space<hbm>>
      %dma_start3A_582 = tpu.memref_squeeze %dma_start3A_581 : memref<1x16xf32, #tpu.memory_space<hbm>> -> memref<16xf32, #tpu.memory_space<hbm>>
      %dma_start3A_583 = arith.constant 0 : i32
      %dma_start3A_584 = tpu.memref_slice %arg4[%add3A, %dma_start3A_583] : memref<32x16xf32, #tpu.memory_space<hbm>> -> memref<1x16xf32, #tpu.memory_space<hbm>>
      %dma_start3A_585 = tpu.memref_squeeze %dma_start3A_584 : memref<1x16xf32, #tpu.memory_space<hbm>> -> memref<16xf32, #tpu.memory_space<hbm>>
      tpu.enqueue_dma source(%arg7 : memref<16xf32, #tpu.memory_space<vmem>>) target(%dma_start3A_585 : memref<16xf32, #tpu.memory_space<hbm>>) target_semaphore(%run_scoped3A : memref<!tpu.dma_semaphore, #tpu.memory_space<semaphore_mem>>)
      %dma_wait3A = arith.constant 0 : i32
      %dma_wait3A_586 = tpu.memref_slice %arg4[%add3A, %dma_wait3A] : memref<32x16xf32, #tpu.memory_space<hbm>> -> memref<1x16xf32, #tpu.memory_space<hbm>>
      %dma_wait3A_587 = tpu.memref_squeeze %dma_wait3A_586 : memref<1x16xf32, #tpu.memory_space<hbm>> -> memref<16xf32, #tpu.memory_space<hbm>>
      %dma_wait3A_588 = arith.constant 0 : i32
      %dma_wait3A_589 = tpu.memref_slice %arg4[%add3A, %dma_wait3A_588] : memref<32x16xf32, #tpu.memory_space<hbm>> -> memref<1x16xf32, #tpu.memory_space<hbm>>
      %dma_wait3A_590 = tpu.memref_squeeze %dma_wait3A_589 : memref<1x16xf32, #tpu.memory_space<hbm>> -> memref<16xf32, #tpu.memory_space<hbm>>
      tpu.wait_dma2 semaphore(%run_scoped3A : memref<!tpu.dma_semaphore, #tpu.memory_space<semaphore_mem>>) src(%arg7 : memref<16xf32, #tpu.memory_space<vmem>>) dst(%dma_wait3A_590 : memref<16xf32, #tpu.memory_space<hbm>>)
      tpu.yield
    }) : () -> ()
    return
  }
}

module attributes {stable_mosaic.version = 14 : i64} {
  func.func @_tc_body(%arg0: i32, %arg1: memref<2048x1000xf32, #tpu.memory_space<vmem>>, %arg2: memref<2048xi32, #tpu.memory_space<vmem>>, %arg3: memref<1xf32, #tpu.memory_space<smem>>, %arg4: memref<1xf32, #tpu.memory_space<smem>>, %arg5: memref<2048xf32, #tpu.memory_space<vmem>>, %arg6: memref<1xf32, #tpu.memory_space<smem>>) attributes {dimension_semantics = [#tpu.dimension_semantics<arbitrary>], iteration_bounds = array<i64: 8>, scalar_prefetch = 0 : i64, scratch_operands = 1 : i64, tpu.core_type = #tpu.core_type<tc>, window_params = [{transform_indices = @transform_0, window_bounds = array<i64: 2048, 1000>}, {transform_indices = @transform_1, window_bounds = array<i64: 2048>}, {transform_indices = @transform_2, window_bounds = array<i64: 1>}, {transform_indices = @transform_3, window_bounds = array<i64: 1>}, {transform_indices = @transform_4, window_bounds = array<i64: 2048>}]} {
    %get3A = arith.constant 0 : index
    %get3A_0 = arith.constant 0 : index
    %get3A_1 = vector.load %arg1[%get3A, %get3A_0] : memref<2048x1000xf32, #tpu.memory_space<vmem>>, vector<2048x1000xf32>
    %get3A_2 = arith.constant 0 : index
    %get3A_3 = memref.load %arg3[%get3A_2] : memref<1xf32, #tpu.memory_space<smem>>
    %mul3A = arith.constant 2.000000e+01 : f32
    %mul3A_4 = arith.mulf %mul3A, %get3A_3 : f32
    %mul3A_5 = arith.constant 2.000000e+01 : f32
    %mul3A_6 = vector.broadcast %mul3A_5 : f32 to vector<2048x1000xf32>
    %mul3A_7 = arith.mulf %mul3A_6, %get3A_1 : vector<2048x1000xf32>
    %sub3A = vector.broadcast %mul3A_4 : f32 to vector<2048x1000xf32>
    %sub3A_8 = arith.subf %sub3A, %mul3A_7 : vector<2048x1000xf32>
    %tanh3A = math.tanh %sub3A_8 : vector<2048x1000xf32>
    %eq3A = arith.constant 0 : i32
    %eq3A_9 = arith.cmpi eq, %arg0, %eq3A : i32
    %convert_element_type3A = arith.extui %eq3A_9 : i1 to i32
    %cond3A = arith.constant 0 : i32
    %cond3A_10 = arith.cmpi ne, %convert_element_type3A, %cond3A : i32
    scf.if %cond3A_10 {
      %swap3A_34 = arith.constant 0.000000e+00 : f32
      %swap3A_35 = arith.constant 0 : index
      %swap3A_36 = memref.load %arg6[%swap3A_35] : memref<1xf32, #tpu.memory_space<smem>>
      memref.store %swap3A_34, %arg6[%swap3A_35] : memref<1xf32, #tpu.memory_space<smem>>
    } else {
    }
    %get3A_11 = arith.constant 0 : index
    %get3A_12 = memref.load %arg6[%get3A_11] : memref<1xf32, #tpu.memory_space<smem>>
    %reduce_sum3A = vector.shape_cast %tanh3A : vector<2048x1000xf32> to vector<1x2048x1000xf32>
    %reduce_sum3A_13 = arith.constant dense<0.000000e+00> : vector<1xf32>
    %reduce_sum3A_14 = vector.multi_reduction <add>, %reduce_sum3A, %reduce_sum3A_13 [1, 2] : vector<1x2048x1000xf32> to vector<1xf32>
    %reduce_sum3A_15 = vector.shape_cast %reduce_sum3A_14 : vector<1xf32> to vector<1x1x1xf32>
    %reduce_sum3A_16 = vector.extract %reduce_sum3A_15[0, 0, 0] : f32 from vector<1x1x1xf32>
    %add3A = arith.addf %get3A_12, %reduce_sum3A_16 : f32
    %swap3A = arith.constant 0 : index
    %swap3A_17 = memref.load %arg6[%swap3A] : memref<1xf32, #tpu.memory_space<smem>>
    memref.store %add3A, %arg6[%swap3A] : memref<1xf32, #tpu.memory_space<smem>>
    %iota3A = tpu.iota {dimensions = array<i32: 1>} : vector<2048x1000xi32>
    %get3A_18 = arith.constant 0 : index
    %get3A_19 = vector.load %arg2[%get3A_18] : memref<2048xi32, #tpu.memory_space<vmem>>, vector<2048xi32>
    %broadcast_in_dim3A = vector.shape_cast %get3A_19 : vector<2048xi32> to vector<2048x1xi32>
    %eq3A_20 = vector.broadcast %broadcast_in_dim3A : vector<2048x1xi32> to vector<2048x1000xi32>
    %eq3A_21 = arith.cmpi eq, %iota3A, %eq3A_20 : vector<2048x1000xi32>
    %convert_element_type3A_22 = arith.extui %eq3A_21 : vector<2048x1000xi1> to vector<2048x1000xi32>
    %convert_element_type3A_23 = arith.sitofp %convert_element_type3A_22 : vector<2048x1000xi32> to vector<2048x1000xf32>
    %mul3A_24 = arith.mulf %get3A_1, %convert_element_type3A_23 : vector<2048x1000xf32>
    %reduce_sum3A_25 = arith.constant dense<0.000000e+00> : vector<2048xf32>
    %reduce_sum3A_26 = vector.multi_reduction <add>, %mul3A_24, %reduce_sum3A_25 [1] : vector<2048x1000xf32> to vector<2048xf32>
    %swap3A_27 = arith.constant 0 : index
    %swap3A_28 = vector.load %arg5[%swap3A_27] : memref<2048xf32, #tpu.memory_space<vmem>>, vector<2048xf32>
    tpu.vector_store %arg5[%swap3A_27], %reduce_sum3A_26 {strides = array<i32>} : memref<2048xf32, #tpu.memory_space<vmem>>, vector<2048xf32>,
    %eq3A_29 = arith.constant 7 : i32
    %eq3A_30 = arith.cmpi eq, %arg0, %eq3A_29 : i32
    %convert_element_type3A_31 = arith.extui %eq3A_30 : i1 to i32
    %cond3A_32 = arith.constant 0 : i32
    %cond3A_33 = arith.cmpi ne, %convert_element_type3A_31, %cond3A_32 : i32
    scf.if %cond3A_33 {
      %get3A_34 = arith.constant 0 : index
      %get3A_35 = memref.load %arg6[%get3A_34] : memref<1xf32, #tpu.memory_space<smem>>
      %swap3A_36 = arith.constant 0 : index
      %swap3A_37 = memref.load %arg4[%swap3A_36] : memref<1xf32, #tpu.memory_space<smem>>
      memref.store %get3A_35, %arg4[%swap3A_36] : memref<1xf32, #tpu.memory_space<smem>>
    } else {
    }
    return
  }
  func.func @transform_0(%arg0: i32) -> (i32, i32) {
    %c0_i32 = arith.constant 0 : i32
    %c0_i32_0 = arith.constant 0 : i32
    return %arg0, %c0_i32 : i32, i32
  }
  func.func @transform_1(%arg0: i32) -> i32 {
    %c0_i32 = arith.constant 0 : i32
    return %arg0 : i32
  }
  func.func @transform_2(%arg0: i32) -> i32 {
    %c0_i32 = arith.constant 0 : i32
    %c0_i32_0 = arith.constant 0 : i32
    return %c0_i32 : i32
  }
  func.func @transform_3(%arg0: i32) -> i32 {
    %c0_i32 = arith.constant 0 : i32
    %c0_i32_0 = arith.constant 0 : i32
    return %c0_i32 : i32
  }
  func.func @transform_4(%arg0: i32) -> i32 {
    %c0_i32 = arith.constant 0 : i32
    return %arg0 : i32
  }
}

</mosaic_0001>

<sc_bundles>
// kernel: kernel.4.cloned.1.call-start
scs
__scs_entry_jumppad:
0x0: {  	(pc) =	sbr.rel $0x88, $3  }
0x1: {  	(tag) =	ssettag $0x0;
	lr =	simm.s32 $0x1  }
0x2: {  	[smem:$0x3F9E] =	sst lr;
	_ =	strace $0xD0000000  }
0x3: {  	_ = 	snop  }
0x4: {  	_ = 	snop  }
0x5: {  	_ = 	snop  }
0x6: {  	_ = 	snop  }
0x7: {  	_ = 	snop  }
__scs_overlays_trampoline_lowered:
0x8: {  	[smem:$0x3FAD] =	sst s0  }
0x9: {  	[smem:$0x3FAE] =	sst s1  }
0xa: {  	[smem:$0x3FAF] =	sst s2  }
0xb: {  	[smem:$0x3FB0] =	sst s3  }
0xc: {  	[smem:$0x3FB1] =	sst s4  }
0xd: {  	[smem:$0x3FB2] =	sst s5  }
0xe: {  	[smem:$0x3FB3] =	sst s6  }
0xf: {  	[smem:$0x3FB4] =	sst s7  }
0x10: {  	[smem:$0x3FB5] =	sst s8  }
0x11: {  	[smem:$0x3FB6] =	sst s9;
	s0 =	simm.s32 @!p0 $0x0  }
0x12: {  	s1 =	sld [smem:$0x3F9C];
	s0 =	simm.s32 @p0 $0x1  }
0x13: {  	[smem:$0x3FB7] =	sst s0;
	s0 =	simm.s32 @!p1 $0x0  }
0x14: {  	s2 =	sld [smem:$0x3F9B];
	s0 =	simm.s32 @p1 $0x1  }
0x15: {  	[smem:$0x3FB8] =	sst s0;
	s0 =	simm.s32 @!p2 $0x0  }
0x16: {  	s3 =	sld [smem:$0x3FDB];
	s0 =	simm.s32 @p2 $0x1  }
0x17: {  	s4 =	simm.s32 $0x1BF5;
	[smem:$0x3FBA] =	sst s0  }
0x18: {  	s0 =	sld [smem:$0x3F9D];
	_ =	swait.ge [sflag:s4], $0x0  }
0x19: {  	s7 =	sld [smem:$0x3F9E]  }
0x1a: {  	s8 =	sadd.s32 $0xFFFFE003, lr  }
0x1b: {  	s9 =	sadd.s32 $0xFFFFFEF7, lr;
	s5 =	simm.s32 $0xFFFFFFFF;
	p2 =	slt.u32 s8, $0xFFFFF086  }
0x1c: {  	p1 =	slt.u32 s9, $0xF7A;
	s5 =	simm.s32 @!p2 $0x0  }
0x1d: {  	s5 =	simm.s32 @p1 $0x1;
	p0 =	seq.s32 s7, s2  }
0x1e: {  	s7 =	smul.u32 @!p0 $0xF7A, s2;
	p2 =	seq.s32 @!p0 s5, $0x0  }
0x1f: {  	s9 =	smul.u32 $0xF7A, s1;
	s8 =	simm.s32 @!p0 $0x1BF5;
	p2 =	por !p2, p0  }
0x20: {  	[sflag:s8] =	ssyncset.s32 @!p0 $0xFFFFF086;
	s6 =	sadd.s32 @!p0 s3, s7;
	s7 =	simm.s32 @!p0 $0x108  }
0x21: {  	s3 =	sadd.s32 s3, s9;
	s6 =	sadd.s32 @!p0 $0x88, s6;
	s7 =	simm.s32 @p2 $0x1082  }
0x22: {  	[simem:s7], [sflag:s8] =	dma.local @!p0 [hbm:s6], $0xF7A  }
0x23: {  	s9 =	sor.u32 $0xD0000000, s2;
	s6 =	simm.s32 $0x108;
	_ =	swait.ge @!p0 [sflag:s8], $0x0  }
0x24: {  	s3 =	sadd.s32 $0x88, s3;
	s6 =	simm.s32 @!p1 $0x1082;
	[sflag:s4] =	ssyncset.s32 $0xFFFFF086  }
0x25: {  	[simem:s6], [sflag:s4] =	dma.local [hbm:s3], $0xF7A  }
0x26: {  	[smem:$0x3F9E] =	sst s1;
	(tag) =	ssettag s2;
	_ =	strace s9  }
0x27: {  	s1 =	sld [smem:$0x3FAE]  }
0x28: {  	s2 =	sld [smem:$0x3FAF]  }
0x29: {  	s4 =	sld [smem:$0x3FB1]  }
0x2a: {  	p0 =	seq.s32 s5, $0x0;
	s5 =	sld [smem:$0x3FB2]  }
0x2b: {  	s6 =	sld [smem:$0x3FB3]  }
0x2c: {  	s7 =	sld [smem:$0x3FB4]  }
0x2d: {  	s3 =	simm.s32 $0x108;
	s8 =	sld [smem:$0x3FB5]  }
0x2e: {  	s3 =	simm.s32 @!p0 $0x1082;
	s9 =	sld [smem:$0x3FB6]  }
0x2f: {  	lr =	sadd.s32 s0, s3;
	s0 =	sld [smem:$0x3FAD]  }
0x30: {  	s3 =	sld [smem:$0x3FB0]  }
0x31: {  	[smem:$0x3FB9] =	sst s10  }
0x32: {  	s10 =	sld [smem:$0x3FB7];
	_ =	sdelay $0x3  }
0x33: {  	p0 =	seq.s32 s10, $0x1;
	s10 =	sld [smem:$0x3FB9];
	_ =	sdelay $0x3  }
0x34: {  	[smem:$0x3FB9] =	sst s10  }
0x35: {  	s10 =	sld [smem:$0x3FB8];
	_ =	sdelay $0x3  }
0x36: {  	p1 =	seq.s32 s10, $0x1;
	s10 =	sld [smem:$0x3FB9];
	_ =	sdelay $0x3  }
0x37: {  	[smem:$0x3FB9] =	sst s10  }
0x38: {  	s10 =	sld [smem:$0x3FBA]  }
0x39: {  	_ = 	snop;
	(pc) =	sbr.ind lr, $3  }
0x3a: {  	_ = 	snop  }
0x3b: {  	_ = 	snop  }
0x3c: {  	p2 =	seq.s32 s10, $0x1;
	s10 =	sld [smem:$0x3FB9]  }
0x3d: {  	_ =	shalt  }
0x3e: {  	_ =	shalt  }
0x3f: {  	_ =	shalt  }
0x40: {  	_ =	shalt  }
0x41: {  	_ =	shalt  }
0x42: {  	_ =	shalt  }
0x43: {  	_ =	shalt  }
0x44: {  	_ =	shalt  }
0x45: {  	_ =	shalt  }
0x46: {  	_ =	shalt  }
0x47: {  	_ =	shalt  }
0x48: {  	_ =	shalt  }
0x49: {  	_ =	shalt  }
0x4a: {  	_ =	shalt  }
0x4b: {  	_ =	shalt  }
0x4c: {  	_ =	shalt  }
0x4d: {  	_ =	shalt  }
0x4e: {  	_ =	shalt  }
0x4f: {  	_ =	shalt  }
0x50: {  	_ =	shalt  }
0x51: {  	_ =	shalt  }
0x52: {  	_ =	shalt  }
0x53: {  	_ =	shalt  }
0x54: {  	_ =	shalt  }
0x55: {  	_ =	shalt  }
0x56: {  	_ =	shalt  }
0x57: {  	_ =	shalt  }
0x58: {  	_ =	shalt  }
0x59: {  	_ =	shalt  }
0x5a: {  	_ =	shalt  }
0x5b: {  	_ =	shalt  }
0x5c: {  	_ =	shalt  }
0x5d: {  	_ =	shalt  }
0x5e: {  	_ =	shalt  }
0x5f: {  	_ =	shalt  }
0x60: {  	_ =	shalt  }
0x61: {  	_ =	shalt  }
0x62: {  	_ =	shalt  }
0x63: {  	_ =	shalt  }
0x64: {  	_ =	shalt  }
0x65: {  	_ =	shalt  }
0x66: {  	_ =	shalt  }
0x67: {  	_ =	shalt  }
0x68: {  	_ =	shalt  }
0x69: {  	_ =	shalt  }
0x6a: {  	_ =	shalt  }
0x6b: {  	_ =	shalt  }
0x6c: {  	_ =	shalt  }
0x6d: {  	_ =	shalt  }
0x6e: {  	_ =	shalt  }
0x6f: {  	_ =	shalt  }
0x70: {  	_ =	shalt  }
0x71: {  	_ =	shalt  }
0x72: {  	_ =	shalt  }
0x73: {  	_ =	shalt  }
0x74: {  	_ =	shalt  }
0x75: {  	_ =	shalt  }
0x76: {  	_ =	shalt  }
0x77: {  	_ =	shalt  }
0x78: {  	_ =	shalt  }
0x79: {  	_ =	shalt  }
0x7a: {  	_ =	shalt  }
0x7b: {  	_ =	shalt  }
0x7c: {  	_ =	shalt  }
0x7d: {  	_ =	shalt  }
0x7e: {  	_ =	shalt  }
0x7f: {  	_ =	shalt  }
0x80: {  	_ =	shalt  }
0x81: {  	_ =	shalt  }
0x82: {  	_ =	shalt  }
0x83: {  	_ =	shalt  }
0x84: {  	_ =	shalt  }
0x85: {  	_ =	shalt  }
0x86: {  	_ =	shalt  }
0x87: {  	_ =	shalt  }
.Lfunc_end0:
.L_simem_size_0:
called_computation_lowered:
.L_overlay_start_0:
0x88: {  	s2 =	sld [smem:$0x3FD9]  }
0x89: {  	s3 =	sld [smem:$0x3FFE];
	_ =	sdelay $0x1  }
0x8a: {  	s1 =	srdreg.scid  }
0x8b: {  	s0 =	sand.u32 $0x1, s1  }
0x8c: {  	s16 =	sshll.u32 s0, $0xA;
	s2 =	sadd.s32 s3, s2  }
0x8d: {  	s2 =	sadd.s32 s2, s16  }
0x8e: {  	[smem:$0x3FC5] =	sst s2  }
0x8f: {  	_ = 	snop  }
0x90: {  	(tm) =	ssettm $0x1  }
0x91: {  	s17 =	sld [smem:$0x3FFB];
	_ =	sdelay $0x3  }
0x92: {  	_ =	strace s17  }
0x93: {  	s2 =	sld [smem:$0x3FFC];
	_ =	sdelay $0x3  }
0x94: {  	_ =	strace s2  }
0x95: {  	s2 =	sld [smem:$0x3FFD];
	_ =	sdelay $0x3  }
0x96: {  	_ =	strace s2  }
0x97: {  	_ =	strace $0x8FFFFFFF  }
0x98: {  	s18 =	sld [smem:$0x3FDB];
	_ =	sdelay $0x1  }
0x99: {  	s19 =	simm.s32 $_scs_section_size  }
0x9a: {  	s4 =	simm.s32 $_size__tile_overlayer_lowered;
	s5 =	simm.s32 $_tile_overlayer_lowered  }
0x9b: {  	s22 =	simm.s32 $0x1BFF;
	s21 =	sshll.u32 s5, $0x1;
	s2 =	sadd.s32 s19, s18  }
0x9c: {  	s6 =	simm.s32 $0x0;
	s20 =	sshll.u32 s4, $0x1;
	s4 =	sadd.s32 s21, s2  }
0x9d: {  	[timem:s6], [sflag:s22] =	dma.local [hbm:s4], s20  }
0x9e: {  	_ =	swait.ge [sflag:s22], s20  }
0x9f: {  	s3 =	ssub.s32 $0x0, s20;
	[sflag:s22] =	ssyncset.done $0x0  }
0xa0: {  	[sflag:s22] =	ssyncadd.s32 s3;
	_ =	sdelay $0x1  }
0xa1: {  	s23 =	simm.s32 $0x1B8B  }
0xa2: {  	_ =	swait.ge [sflag:s23], $0x1  }
0xa3: {  	[sflag:s23] =	ssyncset.done $0x0  }
0xa4: {  	s25 =	simm.s32 $0x1B8E;
	s24 =	sld [smem:$0x3FFE];
	[sflag:s23] =	ssyncadd.s32 $0xFFFFFFFF  }
0xa5: {  	s26 =	simm.s32 $execute0_lowered;
	[smem:$0x3FD2] =	sst s25  }
0xa6: {  	s4 =	sshll.u32 s26, $0x1;
	_ =	strace $0x80000046;
	[dreg:$0x1] =	wrdreg $0xFFFFFFFF  }
0xa7: {  	s28 =	simm.s32 $_size_execute0_lowered;
	s2 =	sadd.s32 s2, s4;
	[dreg:$0x0] =	wrdreg $0x0  }
0xa8: {  	s4 =	sshll.u32 s28, $0x1;
	[dreg:$0x2] =	wrdreg s2  }
0xa9: {  	[dreg:$0x3] =	wrdreg s4  }
0xaa: {  	[dreg:$0x4] =	wrdreg $0xC0  }
0xab: {  	_ =	task [dreg:s6], $0x5FFFF  }
0xac: {  	[dreg:$0x1] =	wrdreg $0xFFFFFFFF  }
0xad: {  	[dreg:$0x0] =	wrdreg $0x60  }
0xae: {  	[dreg:$0x2] =	wrdreg s24  }
0xaf: {  	[dreg:$0x3] =	wrdreg $0x9  }
0xb0: {  	_ =	task.clear_ibuf [dreg:s6], $0x4FFFF;
	_ =	strace $0x90000046  }
0xb1: {  	s29 =	simm.s32 $0x9;
	_ =	strace $0x80000048  }
0xb2: {  	_ =	swait.ge [sflag:s29], $0x1  }
0xb3: {  	[sflag:s29] =	ssyncadd.s32 $0xFFFFFFFF  }
0xb4: {  	_ =	strace $0x90000048  }
0xb5: {  	_ =	sfence  }
0xb6: {  	s30 =	sld [smem:$0x0];
	_ =	sdelay $0x2  }
0xb7: {  	s31 =	sshll.u32 s1, $0xD;
	s1 =	sshrl.u32 s1, $0x2  }
0xb8: {  	s3 =	sand.u32 $0x4000, s31;
	s1 =	sadd.s32 s1, s30  }
0xb9: {  	s0 =	sor.u32 s3, s0;
	s1 =	sshll.u32 s1, $0x11  }
0xba: {  	s0 =	sor.u32 s1, s0  }
0xbb: {  	s0 =	sadd.s32 $0x8F2B, s0  }
0xbc: {  	[sflag:s0] =	ssyncadd.remote.s32 $0x1  }
0xbd: {  	_ =	sfence.sel $0xFFFF  }
0xbe: {  	[dreg:$0x0] =	wrdreg $0xFFFFFFFF;
	(pc) =	sbr.abs _section_cstart, $3  }
0xbf: {  	[dreg:$0x1] =	wrdreg $0xFFFFFFFF  }
0xc0: {  	_ =	task.clear_ibuf [dreg:s6], $0x2FFFF;
	_ =	strace $0x9FFFFFFF  }
0xc1: {  	(tm) =	ssettm $0x7FFFFFFF  }
tec
execute0_lowered:
.L_overlay_start_1:
0x0: {  	(tag) =	ssettag $0x1  }
0x1: {  	s1 =	srdreg.scid;
	s0 =	stileid.u32  }
0x2: {  	s9 =	sand.u32 $0x1, s1;
	s31 =	sshll.u32 s0, $0x1  }
0x3: {  	s7 =	rddreg [dreg:$0x0];
	s8 =	sor.u32 s9, s31  }
0x4: {  	s2 =	simm.s32 $0x0;
	s1 =	rddreg [dreg:$0x1];
	s3 =	sshll.u32 s8, $0x6  }
0x5: {  	[smem:$0x7FF] =	sst s2;
	s3 =	sadd.s32 s3, s7  }
0x6: {  	_ =	strace $0x80000047;
	s4 =	sadd.s32 $0x600, s3;
	s3 =	simm.s32 $0x1  }
0x7: {  	[tilespmem:s2], [sflag:$0x1] =	stream.linear.gather [hbm4b:s4+s2], $0x200, $0x38;
	[tilespmem:$0x300] =	vst v63  }
0x8: {  	_ =	swait.ge [sflag:s3], $0x200  }
0x9: {  	[sflag:s3] =	ssyncset.done $0x0  }
0xa: {  	s6 =	simm.s32 $0x200;
	s5 =	sadd.s32 $0xE00, s7;
	[sflag:s3] =	ssyncadd.s32 $0xFFFFFE00  }
0xb: {  	[tilespmem:s6], [sflag:$0x1] =	stream.linear.gather [hbm4b:s5+s2], $0x80, $0x38;
	[tilespmem:$0x300] =	vst v63  }
0xc: {  	_ =	swait.ge [sflag:s3], $0x80  }
0xd: {  	[sflag:s3] =	ssyncset.done $0x0  }
0xe: {  	[sflag:s3] =	ssyncadd.s32 $0xFFFFFF80  }
0xf: {  	v0 =	vld [tilespmem:$0x200]  }
0x10: {  	v1 =	vld [tilespmem:$0x0]  }
0x11: {  	v2 =	vld [tilespmem:$0x10]  }
0x12: {  	v3 =	vld [tilespmem:$0x20]  }
0x13: {  	v4 =	vld [tilespmem:$0x30];
	_ =	sdelay $0x1  }
0x14: {  	v5 =	vld [tilespmem:$0x40];
	v1 =	vsub.f32 v0, v1  }
0x15: {  	v6 =	vld [tilespmem:$0x50];
	v2 =	vsub.f32 v0, v2  }
0x16: {  	v7 =	vld [tilespmem:$0x60];
	v3 =	vsub.f32 v0, v3;
	v1 =	vmul.f32 $4.000000000e+01, v1  }
0x17: {  	v8 =	vld [tilespmem:$0x70];
	v4 =	vsub.f32 v0, v4;
	v2 =	vmul.f32 $4.000000000e+01, v2  }
0x18: {  	v12 =	vld [tilespmem:$0xB0];
	v3 =	vmul.f32 $4.000000000e+01, v3;
	v1 =	vsub.f32 $0.0e+00, v1  }
0x19: {  	v11 =	vld [tilespmem:$0xA0];
	v5 =	vsub.f32 v0, v5;
	v4 =	vmul.f32 $4.000000000e+01, v4;
	v2 =	vsub.f32 $0.0e+00, v2  }
0x1a: {  	v25 =	vld [tilespmem:$0xC0];
	v6 =	vsub.f32 v0, v6;
	v3 =	vsub.f32 $0.0e+00, v3;
	v1 =	vmul.f32 $1.442695020e+00, v1  }
0x1b: {  	v9 =	vld [tilespmem:$0x80];
	v22 =	vsub.f32 v0, v7;
	v4 =	vsub.f32 $0.0e+00, v4;
	v2 =	vmul.f32 $1.442695020e+00, v2  }
0x1c: {  	v10 =	vld [tilespmem:$0x90];
	v23 =	vsub.f32 v0, v8;
	v3 =	vmul.f32 $1.442695020e+00, v3;
	(erf) = vpow2.f32 v1  }
0x1d: {  	v26 =	vsub.f32 v0, v12;
	v1 =	vmul.f32 $1.442695020e+00, v4;
	(erf) = vpow2.f32 v2  }
0x1e: {  	v24 =	vsub.f32 v0, v11;
	v5 =	vmul.f32 $4.000000000e+01, v5;
	(erf) = vpow2.f32 v3  }
0x1f: {  	v7 =	vsub.f32 v0, v25;
	v8 =	vmul.f32 $4.000000000e+01, v26;
	(erf) = vpow2.f32 v1  }
0x20: {  	v4 =	vmul.f32 $4.000000000e+01, v22;
	v3 =	vsub.f32 $0.0e+00, v5;
	v1 =	vsub.f32 v0, v9  }
0x21: {  	v27 =	vsub.f32 v0, v10;
	v38 =	vmul.f32 $4.000000000e+01, v7;
	v5 =	vmul.f32 $4.000000000e+01, v23  }
0x22: {  	v4 =	vsub.f32 $0.0e+00, v4;
	v3 =	vmul.f32 $1.442695020e+00, v3;
	v1 =	vmul.f32 $4.000000000e+01, v1  }
0x23: {  	v2 =	vmul.f32 $4.000000000e+01, v6;
	v9 =	vmul.f32 $4.000000000e+01, v27;
	v5 =	vsub.f32 $0.0e+00, v5  }
0x24: {  	(erf) = vpow2.f32 v3;
	v3 =	vmul.f32 $1.442695020e+00, v4;
	v1 =	vsub.f32 $0.0e+00, v1  }
0x25: {  	v6 =	vmul.f32 $4.000000000e+01, v24;
	v29 =	vsub.f32 $0.0e+00, v9;
	v28 =	vmul.f32 $1.442695020e+00, v5;
	v30 =	vpop (erf)  }
0x26: {  	v1 =	vmul.f32 $1.442695020e+00, v1;
	(erf) = vpow2.f32 v3;
	v3 =	vld [tilespmem:$0xD0];
	v31 =	vpop (erf)  }
0x27: {  	v33 =	vld [tilespmem:$0xE0];
	v2 =	vsub.f32 $0.0e+00, v2;
	v5 =	vmul.f32 $1.442695020e+00, v29;
	(erf) = vpow2.f32 v28;
	v32 =	vpop (erf)  }
0x28: {  	v6 =	vsub.f32 $0.0e+00, v6;
	v9 =	vadd.f32 $1.000000000e+00, v30;
	(erf) = vpow2.f32 v1;
	v34 =	vpop (erf)  }
0x29: {  	v2 =	vmul.f32 $1.442695020e+00, v2;
	v1 =	vld [tilespmem:$0xF0];
	(erf) = vpow2.f32 v5;
	v12 =	vadd.f32 $1.000000000e+00, v34  }
0x2a: {  	v6 =	vmul.f32 $1.442695020e+00, v6;
	(erf) = vrcp.f32 v9  }
0x2b: {  	v37 =	vadd.f32 $1.000000000e+00, v32;
	v3 =	vsub.f32 v0, v3;
	(erf) = vrcp.f32 v12  }
0x2c: {  	v4 =	vsub.f32 v0, v33;
	v36 =	vadd.f32 $1.000000000e+00, v31;
	(erf) = vpow2.f32 v6  }
0x2d: {  	v35 =	vsub.f32 $0.0e+00, v8;
	v3 =	vmul.f32 $4.000000000e+01, v3;
	(erf) = vrcp.f32 v37  }
0x2e: {  	v13 =	vld [tilespmem:$0x130];
	v4 =	vmul.f32 $4.000000000e+01, v4;
	v39 =	vpop (erf);
	v1 =	vsub.f32 v0, v1;
	(erf) = vrcp.f32 v36  }
0x2f: {  	v40 =	vld [tilespmem:$0x100];
	v6 =	vsub.f32 $0.0e+00, v38;
	v3 =	vsub.f32 $0.0e+00, v3;
	(erf) = vpow2.f32 v2;
	v2 =	vpop (erf)  }
0x30: {  	v44 =	vld [tilespmem:$0x120];
	v5 =	vmul.f32 $1.442695020e+00, v35;
	v1 =	vmul.f32 $4.000000000e+01, v1;
	v42 =	vpop (erf);
	v2 =	vadd.f32 $1.000000000e+00, v2  }
0x31: {  	v6 =	vmul.f32 $1.442695020e+00, v6;
	v3 =	vmul.f32 $1.442695020e+00, v3;
	v43 =	vpop (erf)  }
0x32: {  	(erf) = vpow2.f32 v5;
	v1 =	vsub.f32 $0.0e+00, v1;
	v45 =	vpop (erf)  }
0x33: {  	v13 =	vsub.f32 v0, v13;
	v4 =	vsub.f32 $0.0e+00, v4;
	(erf) = vpow2.f32 v6;
	v46 =	vpop (erf)  }
0x34: {  	v8 =	vsub.f32 v0, v40;
	(erf) = vrcp.f32 v2;
	v1 =	vmul.f32 $1.442695020e+00, v1;
	v2 =	vpop (erf)  }
0x35: {  	v41 =	vld [tilespmem:$0x110];
	v11 =	vsub.f32 v0, v44;
	v4 =	vmul.f32 $1.442695020e+00, v4;
	(erf) = vpow2.f32 v3;
	v3 =	vpop (erf)  }
0x36: {  	v51 =	vmul.f32 $4.000000000e+01, v13;
	v8 =	vmul.f32 $4.000000000e+01, v8;
	v24 =	vld [tilespmem:$0x190];
	v47 =	vpop (erf)  }
0x37: {  	v48 =	vmul.f32 $4.000000000e+01, v11;
	v27 =	vld [tilespmem:$0x1B0];
	v7 =	vadd.f32 $1.000000000e+00, v39;
	(erf) = vpow2.f32 v4;
	v14 =	vpop (erf)  }
0x38: {  	v11 =	vsub.f32 $0.0e+00, v51;
	v8 =	vsub.f32 $0.0e+00, v8;
	(erf) = vpow2.f32 v1;
	v1 =	vpop (erf)  }
0x39: {  	(erf) = vrcp.f32 v7;
	v1 =	vadd.f32 $1.000000000e+00, v1  }
0x3a: {  	v11 =	vmul.f32 $1.442695020e+00, v11;
	v8 =	vmul.f32 $1.442695020e+00, v8;
	v9 =	vsub.f32 v0, v41  }
0x3b: {  	v31 =	vsub.f32 v0, v24;
	v6 =	vadd.f32 $0.0e+00, v46;
	v49 =	vpop (erf);
	(erf) = vrcp.f32 v1  }
0x3c: {  	v53 =	vld [tilespmem:$0x150];
	v32 =	vsub.f32 v0, v27;
	v9 =	vmul.f32 $4.000000000e+01, v9;
	v50 =	vadd.f32 $1.000000000e+00, v49  }
0x3d: {  	v33 =	vmul.f32 $4.000000000e+01, v31;
	v10 =	vadd.f32 $1.000000000e+00, v42;
	v6 =	vadd.f32 v14, v6;
	v52 =	vpop (erf);
	v1 =	vld [tilespmem:$0x140]  }
0x3e: {  	v9 =	vsub.f32 $0.0e+00, v9;
	v5 =	vadd.f32 $1.000000000e+00, v43;
	v55 =	vpop (erf);
	(erf) = vrcp.f32 v50  }
0x3f: {  	v17 =	vld [tilespmem:$0x180];
	v12 =	vadd.f32 $1.000000000e+00, v45;
	v4 =	vadd.f32 v47, v6;
	v57 =	vpop (erf);
	(erf) = vrcp.f32 v10  }
0x40: {  	v58 =	vld [tilespmem:$0x160];
	v56 =	vmul.f32 $1.442695020e+00, v9;
	v3 =	vadd.f32 $1.000000000e+00, v3;
	v7 =	vsub.f32 $0.0e+00, v48;
	v15 =	vpop (erf)  }
0x41: {  	v14 =	vsub.f32 v0, v53;
	v2 =	vadd.f32 v2, v4;
	(erf) = vrcp.f32 v5;
	v61 =	vpop (erf)  }
0x42: {  	v7 =	vmul.f32 $1.442695020e+00, v7;
	(erf) = vpow2.f32 v8;
	v63 =	vpop (erf);
	v1 =	vsub.f32 v0, v1  }
0x43: {  	v18 =	vmul.f32 $4.000000000e+01, v14;
	(erf) = vrcp.f32 v12;
	v2 =	vadd.f32 v63, v2  }
0x44: {  	v60 =	vld [tilespmem:$0x170];
	v6 =	vsub.f32 v0, v17;
	(erf) = vpow2.f32 v56;
	v1 =	vmul.f32 $4.000000000e+01, v1;
	v19 =	vpop (erf)  }
0x45: {  	v10 =	vsub.f32 v0, v58;
	(erf) = vpow2.f32 v7;
	v2 =	vadd.f32 v19, v2  }
0x46: {  	v54 =	vadd.f32 $1.000000000e+00, v52;
	(erf) = vpow2.f32 v11;
	v1 =	vsub.f32 $0.0e+00, v1  }
0x47: {  	v9 =	vadd.f32 $1.000000000e+00, v57;
	v10 =	vmul.f32 $4.000000000e+01, v10;
	v20 =	vpop (erf);
	v2 =	vadd.f32 v55, v2  }
0x48: {  	v7 =	vsub.f32 $0.0e+00, v18;
	(erf) = vrcp.f32 v3;
	v1 =	vmul.f32 $1.442695020e+00, v1;
	v21 =	vpop (erf)  }
0x49: {  	v37 =	vmul.f32 $4.000000000e+01, v32;
	v3 =	vsub.f32 v0, v60;
	v2 =	vadd.f32 v21, v2  }
0x4a: {  	v10 =	vsub.f32 $0.0e+00, v10;
	v7 =	vmul.f32 $1.442695020e+00, v7;
	(erf) = vrcp.f32 v54;
	v22 =	vpop (erf)  }
0x4b: {  	v42 =	vld [tilespmem:$0x1E0];
	v3 =	vmul.f32 $4.000000000e+01, v3;
	v23 =	vpop (erf);
	(erf) = vpow2.f32 v1;
	v2 =	vadd.f32 v22, v2  }
0x4c: {  	v6 =	vmul.f32 $4.000000000e+01, v6;
	v59 =	vadd.f32 $1.000000000e+00, v15;
	v1 =	vpop (erf);
	(erf) = vrcp.f32 v9  }
0x4d: {  	v10 =	vmul.f32 $1.442695020e+00, v10;
	v3 =	vsub.f32 $0.0e+00, v3;
	v26 =	vpop (erf);
	(erf) = vpow2.f32 v7  }
0x4e: {  	v25 =	vld [tilespmem:$0x1A0];
	v6 =	vsub.f32 $0.0e+00, v6;
	v62 =	vadd.f32 $1.000000000e+00, v61;
	v28 =	vpop (erf);
	(erf) = vrcp.f32 v59  }
0x4f: {  	v3 =	vmul.f32 $1.442695020e+00, v3;
	v1 =	vadd.f32 v1, v2;
	v2 =	vpop (erf);
	(erf) = vpow2.f32 v10  }
0x50: {  	v5 =	vsub.f32 v0, v42;
	v4 =	vadd.f32 $1.000000000e+00, v23;
	(erf) = vrcp.f32 v62  }
0x51: {  	v8 =	vsub.f32 $0.0e+00, v37;
	v6 =	vmul.f32 $1.442695020e+00, v6;
	v30 =	vpop (erf);
	(erf) = vpow2.f32 v3  }
0x52: {  	v29 =	vadd.f32 $1.000000000e+00, v26;
	v1 =	vadd.f32 v30, v1;
	(erf) = vrcp.f32 v4  }
0x53: {  	v7 =	vadd.f32 $1.000000000e+00, v28;
	v3 =	vsub.f32 v0, v25;
	v34 =	vpop (erf);
	(erf) = vpow2.f32 v6  }
0x54: {  	v35 =	vld [tilespmem:$0x1C0];
	v5 =	vmul.f32 $4.000000000e+01, v5;
	v2 =	vadd.f32 $1.000000000e+00, v2;
	v36 =	vpop (erf);
	v1 =	vadd.f32 v20, v1  }
0x55: {  	v3 =	vmul.f32 $4.000000000e+01, v3;
	v39 =	vadd.f32 $1.000000000e+00, v36;
	v40 =	vpop (erf);
	(erf) = vrcp.f32 v29  }
0x56: {  	v38 =	vld [tilespmem:$0x1D0];
	v4 =	vsub.f32 $0.0e+00, v33;
	v41 =	vpop (erf);
	v1 =	vadd.f32 v34, v1;
	(erf) = vrcp.f32 v7  }
0x57: {  	v3 =	vsub.f32 $0.0e+00, v3;
	v7 =	vadd.f32 $1.000000000e+00, v41;
	v43 =	vpop (erf);
	(erf) = vrcp.f32 v39  }
0x58: {  	v44 =	vld [tilespmem:$0x1F0];
	v1 =	vadd.f32 v40, v1;
	(erf) = vrcp.f32 v2;
	v2 =	vmul.f32 $1.442695020e+00, v8;
	v45 =	vpop (erf)  }
0x59: {  	v9 =	vsub.f32 v0, v35;
	v4 =	vmul.f32 $1.442695020e+00, v4;
	(erf) = vrcp.f32 v7;
	v46 =	vpop (erf)  }
0x5a: {  	v3 =	vmul.f32 $1.442695020e+00, v3;
	v1 =	vadd.f32 v43, v1;
	(erf) = vpow2.f32 v2;
	v48 =	vpop (erf)  }
0x5b: {  	v47 =	vsub.f32 v0, v38;
	v9 =	vmul.f32 $4.000000000e+01, v9;
	(erf) = vpow2.f32 v4;
	v50 =	vpop (erf)  }
0x5c: {  	v56 =	vsub.f32 $0.0e+00, v5;
	v1 =	vadd.f32 v46, v1;
	v51 =	vpop (erf);
	(erf) = vpow2.f32 v3  }
0x5d: {  	v9 =	vsub.f32 $0.0e+00, v9;
	v0 =	vsub.f32 v0, v44;
	v7 =	vmul.f32 $4.000000000e+01, v47  }
0x5e: {  	v2 =	vadd.f32 $1.000000000e+00, v45;
	v1 =	vadd.f32 v50, v1;
	v3 =	vpop (erf)  }
0x5f: {  	v0 =	vmul.f32 $4.000000000e+01, v0;
	v52 =	vsub.f32 $0.0e+00, v7;
	v49 =	vadd.f32 $1.000000000e+00, v48;
	v53 =	vpop (erf)  }
0x60: {  	v54 =	vmul.f32 $1.442695020e+00, v9;
	(erf) = vrcp.f32 v2;
	v1 =	vadd.f32 v3, v1;
	v3 =	vpop (erf)  }
0x61: {  	v0 =	vsub.f32 $0.0e+00, v0;
	v2 =	vmul.f32 $1.442695020e+00, v52;
	v55 =	vpop (erf);
	(erf) = vrcp.f32 v49  }
0x62: {  	v57 =	vadd.f32 $1.000000000e+00, v51;
	v58 =	vpop (erf);
	(erf) = vpow2.f32 v54;
	v1 =	vadd.f32 v53, v1  }
0x63: {  	(erf) = vpow2.f32 v2;
	v2 =	vmul.f32 $1.442695020e+00, v56;
	v59 =	vpop (erf)  }
0x64: {  	v0 =	vmul.f32 $1.442695020e+00, v0;
	(erf) = vrcp.f32 v57;
	v60 =	vpop (erf);
	v1 =	vadd.f32 v55, v1  }
0x65: {  	(erf) = vpow2.f32 v2;
	v2 =	vadd.f32 $1.000000000e+00, v60;
	v61 =	vpop (erf)  }
0x66: {  	(erf) = vpow2.f32 v0;
	v0 =	vadd.f32 v3, v1;
	v1 =	vadd.f32 $1.000000000e+00, v61  }
0x67: {  	(erf) = vrcp.f32 v2;
	v2 =	vadd.f32 $1.000000000e+00, v59;
	_ =	sdelay $0x1  }
0x68: {  	v3 =	vpop (erf)  }
0x69: {  	v0 =	vadd.f32 v58, v0;
	(erf) = vrcp.f32 v1;
	v1 =	vpop (erf)  }
0x6a: {  	(erf) = vrcp.f32 v2;
	v2 =	vpop (erf)  }
0x6b: {  	v0 =	vadd.f32 v3, v0;
	v2 =	vadd.f32 $1.000000000e+00, v2  }
0x6c: {  	s9 =	ssub.s32 $0x2, s9;
	v3 =	vpop (erf)  }
0x6d: {  	s10 =	sshrl.u32 s9, $0x1;
	v0 =	vadd.f32 v1, v0;
	v1 =	vpop (erf);
	v3 =	vadd.f32 $1.000000000e+00, v3;
	(erf) = vrcp.f32 v2  }
0x6e: {  	s9 =	ssub.s32 s9, s10;
	v62 =	vpop (erf)  }
0x6f: {  	s9 =	smax.u32 s9, $0x1;
	v0 =	vadd.f32 v1, v0;
	v1 =	vpop (erf);
	v2 =	vadd.f32 $1.000000000e+00, v62;
	(erf) = vrcp.f32 v3  }
0x70: {  	p0 =	sne.s32 s9, $0x1  }
.Ltmp0:
0x71: {  	v63 =	vpop (erf);
	v1 =	vadd.f32 $1.000000000e+00, v1;
	(erf) = vrcp.f32 v2;
	(pc) =	sbr.rel @!p0 .LBB2_2-.Ltmp0, $4  }
0x72: {  	v0 =	vadd.f32 v63, v0  }
0x73: {  	s8 =	sshll.u32 s8, $0x4;
	(erf) = vrcp.f32 v1;
	v2 =	vpop (erf)  }
0x74: {  	s7 =	sadd.s32 s8, s7;
	v0 =	vadd.f32 v2, v0  }
0x75: {  	s8 =	simm.s32 $0x280;
	s7 =	sadd.s32 $0x1000, s7;
	s9 =	sadd.s32 $0xFFFFFFFF, s9;
	v1 =	vpop (erf)  }
.LBB2_1:
0x76: {  	p0 =	sne.s32 s9, $0x1;
	s9 =	sadd.s32 $0xFFFFFFFF, s9;
	v0 =	vadd.f32 v1, v0;
	v1 =	vpop (erf);
	_ =	sdelay $0x1  }
0x77: {  	v0 =	vadd.f32 v1, v0;
	v1 =	vpop (erf);
	_ =	sdelay $0x1  }
0x78: {  	v0 =	vadd.f32 v1, v0;
	v1 =	vpop (erf);
	_ =	sdelay $0x1  }
0x79: {  	v0 =	vadd.f32 v1, v0;
	v1 =	vpop (erf);
	_ =	sdelay $0x1  }
0x7a: {  	v0 =	vadd.f32 v1, v0;
	_ =	sdelay $0x1  }
0x7b: {  	[tilespmem:$0x280] =	vst v0  }
0x7c: {  	[hbm4b:s7+s2] =	stream.linear.scatter [tilespmem:s8], [sflag:$0x1], $0x80, $0x38;
	[tilespmem:$0x300] =	vst v63  }
0x7d: {  	_ =	swait.ge [sflag:s3], $0x80  }
0x7e: {  	[sflag:s3] =	ssyncset.done $0x0  }
0x7f: {  	[sflag:s3] =	ssyncadd.s32 $0xFFFFFF80  }
0x80: {  	[tilespmem:s2], [sflag:$0x1] =	stream.linear.gather [hbm4b:s4+s2], $0x200, $0x38;
	[tilespmem:$0x300] =	vst v63  }
0x81: {  	_ =	swait.ge [sflag:s3], $0x200  }
0x82: {  	[sflag:s3] =	ssyncset.done $0x0  }
0x83: {  	[sflag:s3] =	ssyncadd.s32 $0xFFFFFE00  }
0x84: {  	[tilespmem:s6], [sflag:$0x1] =	stream.linear.gather [hbm4b:s5+s2], $0x80, $0x38;
	[tilespmem:$0x300] =	vst v63  }
0x85: {  	_ =	swait.ge [sflag:s3], $0x80  }
0x86: {  	[sflag:s3] =	ssyncset.done $0x0  }
0x87: {  	[sflag:s3] =	ssyncadd.s32 $0xFFFFFF80  }
0x88: {  	v0 =	vld [tilespmem:$0x200]  }
0x89: {  	v1 =	vld [tilespmem:$0x0]  }
0x8a: {  	v2 =	vld [tilespmem:$0x10]  }
0x8b: {  	v3 =	vld [tilespmem:$0x20]  }
0x8c: {  	v4 =	vld [tilespmem:$0x30]  }
0x8d: {  	v5 =	vld [tilespmem:$0x40]  }
0x8e: {  	v1 =	vsub.f32 v0, v1;
	v6 =	vld [tilespmem:$0x50]  }
0x8f: {  	v2 =	vsub.f32 v0, v2;
	v7 =	vld [tilespmem:$0x60]  }
0x90: {  	v1 =	vmul.f32 $4.000000000e+01, v1;
	v3 =	vsub.f32 v0, v3;
	v8 =	vld [tilespmem:$0x70]  }
0x91: {  	v2 =	vmul.f32 $4.000000000e+01, v2;
	v4 =	vsub.f32 v0, v4;
	v9 =	vld [tilespmem:$0x80]  }
0x92: {  	v1 =	vsub.f32 $0.0e+00, v1;
	v3 =	vmul.f32 $4.000000000e+01, v3;
	v5 =	vsub.f32 v0, v5;
	v10 =	vld [tilespmem:$0x90]  }
0x93: {  	v2 =	vsub.f32 $0.0e+00, v2;
	v4 =	vmul.f32 $4.000000000e+01, v4;
	v6 =	vsub.f32 v0, v6;
	v11 =	vld [tilespmem:$0xA0]  }
0x94: {  	v1 =	vmul.f32 $1.442695020e+00, v1;
	v3 =	vsub.f32 $0.0e+00, v3;
	v5 =	vmul.f32 $4.000000000e+01, v5;
	v12 =	vld [tilespmem:$0xB0]  }
0x95: {  	v2 =	vmul.f32 $1.442695020e+00, v2;
	v4 =	vsub.f32 $0.0e+00, v4;
	v6 =	vmul.f32 $4.000000000e+01, v6;
	v13 =	vld [tilespmem:$0xC0]  }
0x96: {  	v7 =	vsub.f32 v0, v7;
	v3 =	vmul.f32 $1.442695020e+00, v3;
	v14 =	vld [tilespmem:$0xD0];
	(erf) = vpow2.f32 v1  }
0x97: {  	v1 =	vmul.f32 $1.442695020e+00, v4;
	v4 =	vsub.f32 $0.0e+00, v5;
	v15 =	vld [tilespmem:$0xE0];
	(erf) = vpow2.f32 v2  }
0x98: {  	v2 =	vsub.f32 v0, v9;
	v5 =	vsub.f32 v0, v11;
	v16 =	vld [tilespmem:$0xF0];
	(erf) = vpow2.f32 v3  }
0x99: {  	v3 =	vsub.f32 v0, v8;
	v8 =	vsub.f32 v0, v12;
	v17 =	vld [tilespmem:$0x100];
	(erf) = vpow2.f32 v1  }
0x9a: {  	v1 =	vmul.f32 $1.442695020e+00, v4;
	v4 =	vmul.f32 $4.000000000e+01, v7;
	v13 =	vsub.f32 v0, v13;
	v18 =	vld [tilespmem:$0x110]  }
0x9b: {  	v7 =	vsub.f32 v0, v10;
	v3 =	vmul.f32 $4.000000000e+01, v3;
	v19 =	vmul.f32 $4.000000000e+01, v8;
	v20 =	vld [tilespmem:$0x120]  }
0x9c: {  	v2 =	vmul.f32 $4.000000000e+01, v2;
	v8 =	vsub.f32 $0.0e+00, v6;
	v4 =	vsub.f32 $0.0e+00, v4;
	v21 =	vld [tilespmem:$0x130]  }
0x9d: {  	v23 =	vmul.f32 $4.000000000e+01, v7;
	v3 =	vsub.f32 $0.0e+00, v3;
	v11 =	vld [tilespmem:$0x140];
	(erf) = vpow2.f32 v1  }
0x9e: {  	v2 =	vsub.f32 $0.0e+00, v2;
	v22 =	vmul.f32 $1.442695020e+00, v8;
	v1 =	vmul.f32 $1.442695020e+00, v4;
	v12 =	vld [tilespmem:$0x150]  }
0x9f: {  	v25 =	vmul.f32 $4.000000000e+01, v5;
	v24 =	vsub.f32 $0.0e+00, v23;
	v3 =	vmul.f32 $1.442695020e+00, v3;
	v9 =	vld [tilespmem:$0x160];
	v6 =	vpop (erf)  }
0xa0: {  	v2 =	vmul.f32 $1.442695020e+00, v2;
	v6 =	vadd.f32 $1.000000000e+00, v6;
	v10 =	vld [tilespmem:$0x170];
	v7 =	vpop (erf);
	(erf) = vpow2.f32 v1  }
0xa1: {  	v1 =	vmul.f32 $1.442695020e+00, v24;
	v23 =	vadd.f32 $1.000000000e+00, v7;
	v8 =	vld [tilespmem:$0x180];
	v4 =	vpop (erf);
	(erf) = vpow2.f32 v3  }
0xa2: {  	v3 =	vsub.f32 $0.0e+00, v25;
	v24 =	vadd.f32 $1.000000000e+00, v4;
	v4 =	vld [tilespmem:$0x190];
	v5 =	vpop (erf);
	(erf) = vpow2.f32 v2  }
0xa3: {  	v19 =	vsub.f32 $0.0e+00, v19;
	v25 =	vadd.f32 $1.000000000e+00, v5;
	v5 =	vld [tilespmem:$0x1A0];
	(erf) = vpow2.f32 v1  }
0xa4: {  	v14 =	vsub.f32 v0, v14;
	v1 =	vmul.f32 $1.442695020e+00, v3;
	v7 =	vld [tilespmem:$0x1B0];
	(erf) = vrcp.f32 v6  }
0xa5: {  	v15 =	vsub.f32 v0, v15;
	v19 =	vmul.f32 $1.442695020e+00, v19;
	v6 =	vld [tilespmem:$0x1C0];
	(erf) = vrcp.f32 v25  }
0xa6: {  	v13 =	vmul.f32 $4.000000000e+01, v13;
	v16 =	vsub.f32 v0, v16;
	v3 =	vld [tilespmem:$0x1D0];
	v2 =	vpop (erf);
	(erf) = vpow2.f32 v1  }
0xa7: {  	v14 =	vmul.f32 $4.000000000e+01, v14;
	v25 =	vadd.f32 $1.000000000e+00, v2;
	v2 =	vld [tilespmem:$0x1E0];
	(erf) = vrcp.f32 v24  }
0xa8: {  	v13 =	vsub.f32 $0.0e+00, v13;
	v15 =	vmul.f32 $4.000000000e+01, v15;
	v1 =	vld [tilespmem:$0x1F0];
	(erf) = vrcp.f32 v23  }
0xa9: {  	v14 =	vsub.f32 $0.0e+00, v14;
	v16 =	vmul.f32 $4.000000000e+01, v16;
	(erf) = vpow2.f32 v22;
	v22 =	vpop (erf)  }
0xaa: {  	v13 =	vmul.f32 $1.442695020e+00, v13;
	v22 =	vadd.f32 $1.000000000e+00, v22;
	v23 =	vpop (erf);
	(erf) = vpow2.f32 v19  }
0xab: {  	v15 =	vsub.f32 $0.0e+00, v15;
	v14 =	vmul.f32 $1.442695020e+00, v14;
	v19 =	vadd.f32 $1.000000000e+00, v23;
	v23 =	vpop (erf)  }
0xac: {  	v17 =	vsub.f32 v0, v17;
	v16 =	vsub.f32 $0.0e+00, v16;
	v24 =	vpop (erf);
	(erf) = vpow2.f32 v13  }
0xad: {  	v13 =	vmul.f32 $1.442695020e+00, v15;
	v15 =	vsub.f32 v0, v18;
	v18 =	vpop (erf);
	(erf) = vrcp.f32 v22  }
0xae: {  	v22 =	vadd.f32 $1.000000000e+00, v23;
	v18 =	vadd.f32 $0.0e+00, v18;
	v23 =	vpop (erf);
	(erf) = vpow2.f32 v14  }
0xaf: {  	v14 =	vmul.f32 $1.442695020e+00, v16;
	v16 =	vsub.f32 v0, v20;
	v20 =	vpop (erf);
	(erf) = vpow2.f32 v13  }
0xb0: {  	v17 =	vmul.f32 $4.000000000e+01, v17;
	v15 =	vmul.f32 $4.000000000e+01, v15;
	v13 =	vadd.f32 $1.000000000e+00, v24;
	v24 =	vpop (erf)  }
0xb1: {  	v21 =	vsub.f32 v0, v21;
	v16 =	vmul.f32 $4.000000000e+01, v16;
	v26 =	vpop (erf);
	(erf) = vpow2.f32 v14  }
0xb2: {  	v14 =	vadd.f32 v26, v18;
	v18 =	vadd.f32 $1.000000000e+00, v20;
	(erf) = vrcp.f32 v25;
	v20 =	vpop (erf)  }
0xb3: {  	v17 =	vsub.f32 $0.0e+00, v17;
	v21 =	vmul.f32 $4.000000000e+01, v21;
	v26 =	vadd.f32 $1.000000000e+00, v20;
	v25 =	vpop (erf)  }
0xb4: {  	v14 =	vadd.f32 v24, v14;
	v25 =	vadd.f32 $1.000000000e+00, v25  }
0xb5: {  	v17 =	vmul.f32 $1.442695020e+00, v17;
	v15 =	vsub.f32 $0.0e+00, v15;
	(erf) = vrcp.f32 v26;
	v20 =	vpop (erf)  }
0xb6: {  	v14 =	vadd.f32 v23, v14;
	v20 =	vadd.f32 $1.000000000e+00, v20;
	v23 =	vpop (erf)  }
0xb7: {  	v15 =	vmul.f32 $1.442695020e+00, v15;
	v16 =	vsub.f32 $0.0e+00, v16;
	(erf) = vrcp.f32 v25;
	v24 =	vpop (erf)  }
0xb8: {  	v21 =	vsub.f32 $0.0e+00, v21;
	v24 =	vadd.f32 $1.000000000e+00, v24;
	(erf) = vrcp.f32 v19;
	v19 =	vpop (erf)  }
0xb9: {  	v16 =	vmul.f32 $1.442695020e+00, v16;
	v19 =	vadd.f32 $1.000000000e+00, v19;
	(erf) = vrcp.f32 v22  }
0xba: {  	v11 =	vsub.f32 v0, v11;
	v21 =	vmul.f32 $1.442695020e+00, v21;
	v22 =	vpop (erf);
	(erf) = vpow2.f32 v17  }
0xbb: {  	v12 =	vsub.f32 v0, v12;
	v17 =	vadd.f32 $1.000000000e+00, v22;
	v22 =	vpop (erf);
	(erf) = vrcp.f32 v13  }
0xbc: {  	v11 =	vmul.f32 $4.000000000e+01, v11;
	v13 =	vadd.f32 v22, v14;
	(erf) = vpow2.f32 v15  }
0xbd: {  	v9 =	vsub.f32 v0, v9;
	v12 =	vmul.f32 $4.000000000e+01, v12;
	(erf) = vpow2.f32 v16  }
0xbe: {  	v10 =	vsub.f32 v0, v10;
	v11 =	vsub.f32 $0.0e+00, v11;
	v14 =	vpop (erf);
	(erf) = vpow2.f32 v21  }
0xbf: {  	v12 =	vsub.f32 $0.0e+00, v12;
	v13 =	vadd.f32 v14, v13;
	(erf) = vrcp.f32 v18  }
0xc0: {  	v9 =	vmul.f32 $4.000000000e+01, v9;
	v8 =	vsub.f32 v0, v8;
	v11 =	vmul.f32 $1.442695020e+00, v11;
	v14 =	vpop (erf)  }
0xc1: {  	v10 =	vmul.f32 $4.000000000e+01, v10;
	v12 =	vmul.f32 $1.442695020e+00, v12;
	v13 =	vadd.f32 v23, v13;
	v15 =	vpop (erf)  }
0xc2: {  	v9 =	vsub.f32 $0.0e+00, v9;
	v8 =	vmul.f32 $4.000000000e+01, v8;
	v16 =	vpop (erf);
	(erf) = vrcp.f32 v20  }
0xc3: {  	v10 =	vsub.f32 $0.0e+00, v10;
	v13 =	vadd.f32 v15, v13;
	v15 =	vpop (erf);
	(erf) = vpow2.f32 v11  }
0xc4: {  	v9 =	vmul.f32 $1.442695020e+00, v9;
	v11 =	vadd.f32 $1.000000000e+00, v15;
	v15 =	vpop (erf);
	(erf) = vrcp.f32 v24  }
0xc5: {  	v10 =	vmul.f32 $1.442695020e+00, v10;
	v13 =	vadd.f32 v16, v13;
	v16 =	vpop (erf);
	(erf) = vpow2.f32 v12  }
0xc6: {  	v8 =	vsub.f32 $0.0e+00, v8;
	v12 =	vadd.f32 $1.000000000e+00, v16;
	(erf) = vrcp.f32 v19;
	v16 =	vpop (erf)  }
0xc7: {  	v13 =	vadd.f32 v15, v13;
	v15 =	vadd.f32 $1.000000000e+00, v16;
	v16 =	vpop (erf);
	(erf) = vpow2.f32 v9  }
0xc8: {  	v8 =	vmul.f32 $1.442695020e+00, v8;
	v9 =	vadd.f32 $1.000000000e+00, v16;
	v16 =	vpop (erf);
	(erf) = vrcp.f32 v17  }
0xc9: {  	v4 =	vsub.f32 v0, v4;
	v13 =	vadd.f32 v16, v13;
	(erf) = vpow2.f32 v10  }
0xca: {  	v5 =	vsub.f32 v0, v5;
	v7 =	vsub.f32 v0, v7;
	(erf) = vrcp.f32 v11  }
0xcb: {  	v4 =	vmul.f32 $4.000000000e+01, v4;
	v10 =	vadd.f32 v14, v13;
	v11 =	vpop (erf);
	(erf) = vpow2.f32 v8  }
0xcc: {  	v5 =	vmul.f32 $4.000000000e+01, v5;
	v6 =	vsub.f32 v0, v6;
	(erf) = vrcp.f32 v12;
	v8 =	vpop (erf)  }
0xcd: {  	v7 =	vmul.f32 $4.000000000e+01, v7;
	v10 =	vadd.f32 v11, v10;
	v13 =	vadd.f32 $1.000000000e+00, v8;
	v11 =	vpop (erf)  }
0xce: {  	v4 =	vsub.f32 $0.0e+00, v4;
	v5 =	vsub.f32 $0.0e+00, v5;
	(erf) = vrcp.f32 v15;
	v12 =	vpop (erf)  }
0xcf: {  	v14 =	vadd.f32 v11, v10;
	v15 =	vadd.f32 $1.000000000e+00, v12;
	v12 =	vpop (erf);
	(erf) = vrcp.f32 v13  }
0xd0: {  	v7 =	vsub.f32 $0.0e+00, v7;
	v5 =	vmul.f32 $1.442695020e+00, v5;
	(erf) = vrcp.f32 v9;
	v8 =	vpop (erf)  }
0xd1: {  	v9 =	vadd.f32 v12, v14;
	v8 =	vadd.f32 $1.000000000e+00, v8;
	v10 =	vpop (erf);
	(erf) = vrcp.f32 v15  }
0xd2: {  	v3 =	vsub.f32 v0, v3;
	v4 =	vmul.f32 $1.442695020e+00, v4;
	v7 =	vmul.f32 $1.442695020e+00, v7;
	v11 =	vpop (erf)  }
0xd3: {  	v6 =	vmul.f32 $4.000000000e+01, v6;
	v9 =	vadd.f32 v10, v9;
	v10 =	vadd.f32 $1.000000000e+00, v11;
	v11 =	vpop (erf)  }
0xd4: {  	v2 =	vsub.f32 v0, v2;
	v3 =	vmul.f32 $4.000000000e+01, v3;
	v12 =	vpop (erf);
	(erf) = vpow2.f32 v7  }
0xd5: {  	v7 =	vadd.f32 v11, v9;
	v9 =	vadd.f32 $1.000000000e+00, v12;
	v11 =	vpop (erf);
	(erf) = vpow2.f32 v4  }
0xd6: {  	v3 =	vsub.f32 $0.0e+00, v3;
	v4 =	vsub.f32 $0.0e+00, v6;
	(erf) = vpow2.f32 v5  }
0xd7: {  	v2 =	vmul.f32 $4.000000000e+01, v2;
	v0 =	vsub.f32 v0, v1;
	v11 =	vadd.f32 v11, v7;
	v1 =	vpop (erf)  }
0xd8: {  	v4 =	vmul.f32 $1.442695020e+00, v4;
	v6 =	vpop (erf);
	(erf) = vrcp.f32 v8  }
0xd9: {  	v3 =	vmul.f32 $1.442695020e+00, v3;
	v1 =	vadd.f32 v1, v11;
	v5 =	vpop (erf);
	(erf) = vrcp.f32 v10  }
0xda: {  	v2 =	vsub.f32 $0.0e+00, v2;
	v0 =	vmul.f32 $4.000000000e+01, v0;
	v7 =	vpop (erf);
	(erf) = vpow2.f32 v4  }
0xdb: {  	v1 =	vadd.f32 v5, v1;
	(erf) = vpow2.f32 v3  }
0xdc: {  	v2 =	vmul.f32 $1.442695020e+00, v2;
	v0 =	vsub.f32 $0.0e+00, v0  }
0xdd: {  	v1 =	vadd.f32 v6, v1;
	(erf) = vrcp.f32 v9;
	v3 =	vpop (erf)  }
0xde: {  	v5 =	vmul.f32 $1.442695020e+00, v0;
	v4 =	vpop (erf);
	(erf) = vpow2.f32 v2  }
0xdf: {  	v3 =	vadd.f32 $1.000000000e+00, v3;
	v2 =	vadd.f32 $1.000000000e+00, v4;
	v4 =	vpop (erf)  }
0xe0: {  	v6 =	vadd.f32 v7, v1;
	v4 =	vadd.f32 $1.000000000e+00, v4;
	(erf) = vpow2.f32 v5  }
0xe1: {  	v0 =	vpop (erf);
	(erf) = vrcp.f32 v2  }
0xe2: {  	v0 =	vadd.f32 v0, v6;
	v1 =	vpop (erf);
	(erf) = vrcp.f32 v4  }
0xe3: {  	v2 =	vpop (erf)  }
0xe4: {  	v0 =	vadd.f32 v1, v0;
	v4 =	vadd.f32 $1.000000000e+00, v2;
	v2 =	vpop (erf)  }
0xe5: {  	v2 =	vadd.f32 $1.000000000e+00, v2;
	(erf) = vrcp.f32 v3  }
0xe6: {  	v3 =	vpop (erf);
	(erf) = vrcp.f32 v4  }
0xe7: {  	v1 =	vpop (erf)  }
0xe8: {  	v0 =	vadd.f32 v3, v0;
	v4 =	vadd.f32 $1.000000000e+00, v1;
	(erf) = vrcp.f32 v2  }
0xe9: {  	v2 =	vpop (erf)  }
.Ltmp1:
0xea: {  	v2 =	vadd.f32 $1.000000000e+00, v2;
	v3 =	vpop (erf);
	(erf) = vrcp.f32 v4;
	(pc) =	sbr.rel @p0 .LBB2_1-.Ltmp1, $4  }
0xeb: {  	v0 =	vadd.f32 v3, v0;
	v1 =	vpop (erf)  }
0xec: {  	(erf) = vrcp.f32 v2  }
0xed: {  	v0 =	vadd.f32 v1, v0  }
0xee: {  	v1 =	vpop (erf)  }
.LBB2_2:
0xef: {  	v0 =	vadd.f32 v1, v0  }
0xf0: {  	v60 =	vpop (erf)  }
0xf1: {  	v0 =	vadd.f32 v60, v0  }
0xf2: {  	v61 =	vpop (erf)  }
0xf3: {  	v0 =	vadd.f32 v61, v0  }
0xf4: {  	v62 =	vpop (erf)  }
0xf5: {  	v0 =	vadd.f32 v62, v0  }
0xf6: {  	v63 =	vpop (erf)  }
0xf7: {  	v0 =	vadd.f32 v63, v0;
	_ =	sdelay $0x1  }
0xf8: {  	[tilespmem:$0x280] =	vst v0  }
0xf9: {  	[hbm4b:s7+s2] =	stream.linear.scatter [tilespmem:s8], [sflag:$0x1], $0x80, $0x38;
	[tilespmem:$0x300] =	vst v63  }
0xfa: {  	_ =	swait.ge [sflag:s3], $0x80  }
0xfb: {  	[sflag:s3] =	ssyncset.done $0x0  }
0xfc: {  	[sflag:s3] =	ssyncadd.s32 $0xFFFFFF80  }
0xfd: {  	_ =	sfence.sel $0x180000  }
0xfe: {  	[bflag:$0x0] =	sbarrier.arrive $0xFFFF  }
0xff: {  	p0 =	sne.s32 s0, $0x0;
	_ =	strace $0x90000047  }
0x100: {  	s0 =	sadd.s32 @!p0 $0x100000, s1;
	[bflag:$0x2] =	sbarrier.arrive $0xFFFF  }
0x101: {  	[sflag:s0] =	ssyncadd.tile.s32 @!p0 $0x1;
	_ =	shalt  }
.Lfunc_end2:
_tile_overlayer_lowered:
.L_overlay_start_2:
0x102: {  	(tag) =	ssettag $0x2  }
0x103: {  	s0 =	rddreg [dreg:$0x0];
	s2 =	stileid.u32  }
0x104: {  	s1 =	rddreg [dreg:$0x1];
	p0 =	sne.s32 s2, $0x0  }
0x105: {  	s3 =	rddreg [dreg:$0x2];
	[bflag:$0x3] =	sbarrier.arrive $0xFFFF;
	s2 =	simm.s32 @!p0 $0x1C01  }
0x106: {  	[timem:s3], [sflag:s2] =	dma.local @!p0 [hbm:s0], s1  }
0x107: {  	s0 =	simm.s32 @!p0 $0x1  }
0x108: {  	_ =	swait.ge @!p0 [sflag:s0], s1  }
0x109: {  	s1 =	ssub.s32 @!p0 $0x0, s1;
	[sflag:s0] =	ssyncset.done @!p0 $0x0  }
0x10a: {  	[sflag:s0] =	ssyncadd.s32 @!p0 s1  }
0x10b: {  	[bflag:$0x3] =	sbarrier.arrive $0xFFFF  }
0x10c: {  	_ =	shalt  }

</sc_bundles>
